<compile_context>
chip_gen: v7x
topology: tpu7x:2x2x1
jax: 0.10.2.dev20260603
libtpu: 0.0.44.dev20260713+nightly
codegen_flags: <defaults>
</compile_context>

<pallas_src>
import functools

import jax
import jax.numpy as jnp
from jax import lax
from jax.experimental import pallas as pl
from jax.experimental.pallas import tpu as pltpu
from jax.experimental.pallas import tpu_sc as plsc

_NC = 2
_NS = 16
_NW = _NC * _NS

_SUB = 128
_NSUB = 2
_CHUNK = _SUB * _NSUB
_NBUF = 3
_DP = 128


def _gather(idx2d, table, B):
    b_per_w = B // _NW
    n_chunks = b_per_w // _CHUNK
    idxrows_per_w = b_per_w // _SUB

    mesh = plsc.VectorSubcoreMesh(
        core_axis_name="c", subcore_axis_name="s",
        num_cores=_NC, num_subcores=_NS)

    @functools.partial(
        pl.kernel,
        out_type=jax.ShapeDtypeStruct((B, _DP), jnp.float32),
        mesh=mesh,
        scratch_types=[
            pltpu.VMEM((_NBUF, _NSUB, _SUB), jnp.int32),
            pltpu.VMEM((_NBUF, _CHUNK, _DP), jnp.float32),
            [pltpu.SemaphoreType.DMA] * _NBUF,
            [pltpu.SemaphoreType.DMA] * _NBUF,
            [pltpu.SemaphoreType.DMA] * _NBUF,
        ],
        compiler_params=pltpu.CompilerParams(use_tc_tiling_on_sc=False),
    )
    def k(idx_hbm, table_hbm, out_hbm, idx_v, rows_v, semi, semg, semo):
        wid = lax.axis_index("s") * _NC + lax.axis_index("c")
        idxrow0 = wid * idxrows_per_w
        row0 = wid * b_per_w

        def start_idx(b, g):
            pltpu.async_copy(
                idx_hbm.at[pl.ds(idxrow0 + g * _NSUB, _NSUB)],
                idx_v.at[b], semi[b])

        def wait_idx(b):
            pltpu.make_async_copy(
                idx_hbm.at[pl.ds(idxrow0, _NSUB)],
                idx_v.at[b], semi[b]).wait()

        def start_gather(b):
            for j in range(_NSUB):
                pltpu.async_copy(
                    table_hbm.at[idx_v.at[b, j]],
                    rows_v.at[b, pl.ds(j * _SUB, _SUB)],
                    semg[b])

        def wait_gather(b):
            for j in range(_NSUB):
                pltpu.make_async_copy(
                    table_hbm.at[idx_v.at[b, j]],
                    rows_v.at[b, pl.ds(j * _SUB, _SUB)],
                    semg[b]).wait()

        def start_out(b, g):
            pltpu.async_copy(
                rows_v.at[b],
                out_hbm.at[pl.ds(row0 + g * _CHUNK, _CHUNK)],
                semo[b])

        def wait_out(b):
            pltpu.make_async_copy(
                rows_v.at[b],
                out_hbm.at[pl.ds(row0, _CHUNK)],
                semo[b]).wait()


        for b in range(_NBUF):
            start_idx(b, b)
        wait_idx(0)
        start_gather(0)

        for g in range(1, _NBUF):
            b, bp = g % _NBUF, (g - 1) % _NBUF
            wait_idx(b)
            start_gather(b)
            wait_gather(bp)
            start_idx(bp, g - 1 + _NBUF)
            start_out(bp, g - 1)

        @pl.loop(_NBUF, n_chunks - 2)
        def _step(g):
            for b in range(_NBUF):
                bp = (b - 1) % _NBUF

                @pl.when((g % _NBUF) == b)
                def _():
                    wait_idx(b)
                    wait_out(b)
                    start_gather(b)
                    wait_gather(bp)
                    start_idx(bp, g - 1 + _NBUF)
                    start_out(bp, g - 1)

        for g in range(n_chunks - 2, n_chunks):
            b, bp = g % _NBUF, (g - 1) % _NBUF
            wait_idx(b)
            wait_out(b)
            start_gather(b)
            wait_gather(bp)
            start_out(bp, g - 1)
        bl = (n_chunks - 1) % _NBUF
        wait_gather(bl)
        start_out(bl, n_chunks - 1)
        for b in range(_NBUF):
            wait_out(b)

    return k(idx2d, table)


def kernel(x, W):
    N, J = x.shape
    D = W.shape[1]
    B = N * J
    idx2d = x.reshape(B // _SUB, _SUB).astype(jnp.int32)
    W_pad = jnp.pad(W, ((0, 0), (0, _DP - D)))
    out2 = _gather(idx2d, W_pad, B)
    return out2[:, :D].reshape(N, J, D)

# --- scband reference (transcript-rebuilt; emitter-appended) ---
"""Pipeline reference for scband-fixed-embedding-13288628814005 (READ-ONLY COPY).

The authoritative reference and input builder live on the scoring server;
editing this copy changes nothing except your own understanding.
"""

import jax, jax.numpy as jnp
import numpy as np
import math

C_IN = 100000
D_MODEL = 64

def _build_fixed_table():
    position = jnp.arange(0, C_IN, dtype=jnp.float32)[:, None]
    div_term = jnp.exp(jnp.arange(0, D_MODEL, 2, dtype=jnp.float32) * (-math.log(10000.0) / D_MODEL))
    w = jnp.zeros((C_IN, D_MODEL), dtype=jnp.float32)
    w = w.at[:, 0::2].set(jnp.sin(position * div_term))
    w = w.at[:, 1::2].set(jnp.cos(position * div_term))
    return w

def setup_inputs(seed: int = 0) -> dict:
    key = jax.random.key(seed)
    x = jax.random.randint(key, (16384, 200), 0, C_IN, dtype=jnp.int64 if jax.config.jax_enable_x64 else jnp.int32)
    W = _build_fixed_table()
    return {"x": x, "W": W}

def reference(x, W):
    # embedding lookup; original module detaches the output (fixed, non-learned table)
    out = jnp.take(W, x, axis=0)
    out = jax.lax.stop_gradient(out)
    return out

if __name__ == "__main__":
    import jax
    _d = setup_inputs()
    print(jax.jit(kernel)(*tuple(_d.values())))

</pallas_src>

<mosaic_0001>
#map = affine_map<(d0, d1) -> (0, 0)>
module attributes {stable_mosaic.version = 14 : i64} {
  func.func @k(%arg0: i32, %arg1: i32, %arg2: memref<25600x128xi32, #tpu.memory_space<hbm>>, %arg3: memref<100000x128xf32, #tpu.memory_space<hbm>>, %arg4: memref<3276800x128xf32, #tpu.memory_space<hbm>>, %arg5: memref<3x2x128xi32, #tpu.memory_space<vmem>>, %arg6: memref<3x256x128xf32, #tpu.memory_space<vmem>>, %arg7: memref<!tpu.dma_semaphore, #tpu.memory_space<semaphore_mem>>, %arg8: memref<!tpu.dma_semaphore, #tpu.memory_space<semaphore_mem>>, %arg9: memref<!tpu.dma_semaphore, #tpu.memory_space<semaphore_mem>>, %arg10: memref<!tpu.dma_semaphore, #tpu.memory_space<semaphore_mem>>, %arg11: memref<!tpu.dma_semaphore, #tpu.memory_space<semaphore_mem>>, %arg12: memref<!tpu.dma_semaphore, #tpu.memory_space<semaphore_mem>>, %arg13: memref<!tpu.dma_semaphore, #tpu.memory_space<semaphore_mem>>, %arg14: memref<!tpu.dma_semaphore, #tpu.memory_space<semaphore_mem>>, %arg15: memref<!tpu.dma_semaphore, #tpu.memory_space<semaphore_mem>>) attributes {dimension_semantics = [#tpu.dimension_semantics<core_parallel>, #tpu.dimension_semantics<subcore_parallel>], iteration_bounds = array<i64: 2, 16>, scalar_prefetch = 0 : i64, scratch_operands = 11 : i64, tpu.core_type = #tpu.core_type<sc_vector_subcore>, window_params = [{transform_indices = #map}, {transform_indices = #map}, {transform_indices = #map}]} {
    %mul3A = arith.constant 2 : i32
    %mul3A_0 = arith.muli %arg1, %mul3A : i32
    %add3A = arith.addi %mul3A_0, %arg0 : i32
    %mul3A_1 = arith.constant 800 : i32
    %mul3A_2 = arith.muli %add3A, %mul3A_1 : i32
    %mul3A_3 = arith.constant 102400 : i32
    %mul3A_4 = arith.muli %add3A, %mul3A_3 : i32
    %add3A_5 = arith.constant 0 : i32
    %add3A_6 = arith.addi %mul3A_2, %add3A_5 : i32
    %dma_start3A = arith.constant 0 : i32
    %dma_start3A_7 = arith.constant 0 : i32
    %dma_start3A_8 = arith.constant 0 : i32
    %dma_start3A_9 = tpu.memref_slice %arg5[%dma_start3A, %dma_start3A_7, %dma_start3A_8] : memref<3x2x128xi32, #tpu.memory_space<vmem>> -> memref<1x2x128xi32, #tpu.memory_space<vmem>>
    %dma_start3A_10 = tpu.memref_squeeze %dma_start3A_9 : memref<1x2x128xi32, #tpu.memory_space<vmem>> -> memref<2x128xi32, #tpu.memory_space<vmem>>
    %dma_start3A_11 = arith.constant 0 : i32
    %dma_start3A_12 = tpu.memref_slice %arg2[%add3A_6, %dma_start3A_11] : memref<25600x128xi32, #tpu.memory_space<hbm>> -> memref<2x128xi32, #tpu.memory_space<hbm>>
    %dma_start3A_13 = arith.constant 0 : i32
    %dma_start3A_14 = arith.constant 0 : i32
    %dma_start3A_15 = tpu.memref_slice %arg5[%dma_start3A, %dma_start3A_13, %dma_start3A_14] : memref<3x2x128xi32, #tpu.memory_space<vmem>> -> memref<1x2x128xi32, #tpu.memory_space<vmem>>
    %dma_start3A_16 = tpu.memref_squeeze %dma_start3A_15 : memref<1x2x128xi32, #tpu.memory_space<vmem>> -> memref<2x128xi32, #tpu.memory_space<vmem>>
    %dma_start3A_17 = arith.constant 0 : i32
    %dma_start3A_18 = tpu.memref_slice %arg2[%add3A_6, %dma_start3A_17] : memref<25600x128xi32, #tpu.memory_space<hbm>> -> memref<2x128xi32, #tpu.memory_space<hbm>>
    tpu.enqueue_dma source(%dma_start3A_18 : memref<2x128xi32, #tpu.memory_space<hbm>>) target(%dma_start3A_16 : memref<2x128xi32, #tpu.memory_space<vmem>>) target_semaphore(%arg7 : memref<!tpu.dma_semaphore, #tpu.memory_space<semaphore_mem>>)
    %add3A_19 = arith.constant 2 : i32
    %add3A_20 = arith.addi %mul3A_2, %add3A_19 : i32
    %dma_start3A_21 = arith.constant 1 : i32
    %dma_start3A_22 = arith.constant 0 : i32
    %dma_start3A_23 = arith.constant 0 : i32
    %dma_start3A_24 = tpu.memref_slice %arg5[%dma_start3A_21, %dma_start3A_22, %dma_start3A_23] : memref<3x2x128xi32, #tpu.memory_space<vmem>> -> memref<1x2x128xi32, #tpu.memory_space<vmem>>
    %dma_start3A_25 = tpu.memref_squeeze %dma_start3A_24 : memref<1x2x128xi32, #tpu.memory_space<vmem>> -> memref<2x128xi32, #tpu.memory_space<vmem>>
    %dma_start3A_26 = arith.constant 0 : i32
    %dma_start3A_27 = tpu.memref_slice %arg2[%add3A_20, %dma_start3A_26] : memref<25600x128xi32, #tpu.memory_space<hbm>> -> memref<2x128xi32, #tpu.memory_space<hbm>>
    %dma_start3A_28 = arith.constant 0 : i32
    %dma_start3A_29 = arith.constant 0 : i32
    %dma_start3A_30 = tpu.memref_slice %arg5[%dma_start3A_21, %dma_start3A_28, %dma_start3A_29] : memref<3x2x128xi32, #tpu.memory_space<vmem>> -> memref<1x2x128xi32, #tpu.memory_space<vmem>>
    %dma_start3A_31 = tpu.memref_squeeze %dma_start3A_30 : memref<1x2x128xi32, #tpu.memory_space<vmem>> -> memref<2x128xi32, #tpu.memory_space<vmem>>
    %dma_start3A_32 = arith.constant 0 : i32
    %dma_start3A_33 = tpu.memref_slice %arg2[%add3A_20, %dma_start3A_32] : memref<25600x128xi32, #tpu.memory_space<hbm>> -> memref<2x128xi32, #tpu.memory_space<hbm>>
    tpu.enqueue_dma source(%dma_start3A_33 : memref<2x128xi32, #tpu.memory_space<hbm>>) target(%dma_start3A_31 : memref<2x128xi32, #tpu.memory_space<vmem>>) target_semaphore(%arg8 : memref<!tpu.dma_semaphore, #tpu.memory_space<semaphore_mem>>)
    %add3A_34 = arith.constant 4 : i32
    %add3A_35 = arith.addi %mul3A_2, %add3A_34 : i32
    %dma_start3A_36 = arith.constant 2 : i32
    %dma_start3A_37 = arith.constant 0 : i32
    %dma_start3A_38 = arith.constant 0 : i32
    %dma_start3A_39 = tpu.memref_slice %arg5[%dma_start3A_36, %dma_start3A_37, %dma_start3A_38] : memref<3x2x128xi32, #tpu.memory_space<vmem>> -> memref<1x2x128xi32, #tpu.memory_space<vmem>>
    %dma_start3A_40 = tpu.memref_squeeze %dma_start3A_39 : memref<1x2x128xi32, #tpu.memory_space<vmem>> -> memref<2x128xi32, #tpu.memory_space<vmem>>
    %dma_start3A_41 = arith.constant 0 : i32
    %dma_start3A_42 = tpu.memref_slice %arg2[%add3A_35, %dma_start3A_41] : memref<25600x128xi32, #tpu.memory_space<hbm>> -> memref<2x128xi32, #tpu.memory_space<hbm>>
    %dma_start3A_43 = arith.constant 0 : i32
    %dma_start3A_44 = arith.constant 0 : i32
    %dma_start3A_45 = tpu.memref_slice %arg5[%dma_start3A_36, %dma_start3A_43, %dma_start3A_44] : memref<3x2x128xi32, #tpu.memory_space<vmem>> -> memref<1x2x128xi32, #tpu.memory_space<vmem>>
    %dma_start3A_46 = tpu.memref_squeeze %dma_start3A_45 : memref<1x2x128xi32, #tpu.memory_space<vmem>> -> memref<2x128xi32, #tpu.memory_space<vmem>>
    %dma_start3A_47 = arith.constant 0 : i32
    %dma_start3A_48 = tpu.memref_slice %arg2[%add3A_35, %dma_start3A_47] : memref<25600x128xi32, #tpu.memory_space<hbm>> -> memref<2x128xi32, #tpu.memory_space<hbm>>
    tpu.enqueue_dma source(%dma_start3A_48 : memref<2x128xi32, #tpu.memory_space<hbm>>) target(%dma_start3A_46 : memref<2x128xi32, #tpu.memory_space<vmem>>) target_semaphore(%arg9 : memref<!tpu.dma_semaphore, #tpu.memory_space<semaphore_mem>>)
    %dma_wait3A = arith.constant 0 : i32
    %dma_wait3A_49 = arith.constant 0 : i32
    %dma_wait3A_50 = arith.constant 0 : i32
    %dma_wait3A_51 = tpu.memref_slice %arg5[%dma_wait3A, %dma_wait3A_49, %dma_wait3A_50] : memref<3x2x128xi32, #tpu.memory_space<vmem>> -> memref<1x2x128xi32, #tpu.memory_space<vmem>>
    %dma_wait3A_52 = tpu.memref_squeeze %dma_wait3A_51 : memref<1x2x128xi32, #tpu.memory_space<vmem>> -> memref<2x128xi32, #tpu.memory_space<vmem>>
    %dma_wait3A_53 = arith.constant 0 : i32
    %dma_wait3A_54 = tpu.memref_slice %arg2[%mul3A_2, %dma_wait3A_53] : memref<25600x128xi32, #tpu.memory_space<hbm>> -> memref<2x128xi32, #tpu.memory_space<hbm>>
    %dma_wait3A_55 = arith.constant 0 : i32
    %dma_wait3A_56 = arith.constant 0 : i32
    %dma_wait3A_57 = tpu.memref_slice %arg5[%dma_wait3A, %dma_wait3A_55, %dma_wait3A_56] : memref<3x2x128xi32, #tpu.memory_space<vmem>> -> memref<1x2x128xi32, #tpu.memory_space<vmem>>
    %dma_wait3A_58 = tpu.memref_squeeze %dma_wait3A_57 : memref<1x2x128xi32, #tpu.memory_space<vmem>> -> memref<2x128xi32, #tpu.memory_space<vmem>>
    %dma_wait3A_59 = arith.constant 0 : i32
    %dma_wait3A_60 = tpu.memref_slice %arg2[%mul3A_2, %dma_wait3A_59] : memref<25600x128xi32, #tpu.memory_space<hbm>> -> memref<2x128xi32, #tpu.memory_space<hbm>>
    tpu.wait_dma2 semaphore(%arg7 : memref<!tpu.dma_semaphore, #tpu.memory_space<semaphore_mem>>) src(%dma_wait3A_60 : memref<2x128xi32, #tpu.memory_space<hbm>>) dst(%dma_wait3A_58 : memref<2x128xi32, #tpu.memory_space<vmem>>)
    %dma_start3A_61 = arith.constant 0 : i32
    %dma_start3A_62 = arith.constant 0 : i32
    %dma_start3A_63 = arith.constant 0 : i32
    %dma_start3A_64 = arith.constant 0 : i32
    %dma_start3A_65 = arith.constant 0 : i32
    %dma_start3A_66 = tpu.memref_slice %arg6[%dma_start3A_63, %dma_start3A_64, %dma_start3A_65] : memref<3x256x128xf32, #tpu.memory_space<vmem>> -> memref<1x128x128xf32, #tpu.memory_space<vmem>>
    %dma_start3A_67 = tpu.memref_squeeze %dma_start3A_66 : memref<1x128x128xf32, #tpu.memory_space<vmem>> -> memref<128x128xf32, #tpu.memory_space<vmem>>
    %dma_start3A_68 = arith.constant 0 : i32
    %dma_start3A_69 = tpu.memref_slice %arg5[%dma_start3A_61, %dma_start3A_62, %dma_start3A_68] : memref<3x2x128xi32, #tpu.memory_space<vmem>> -> memref<1x1x128xi32, #tpu.memory_space<vmem>>
    %dma_start3A_70 = tpu.memref_squeeze %dma_start3A_69 : memref<1x1x128xi32, #tpu.memory_space<vmem>> -> memref<128xi32, #tpu.memory_space<vmem>>
    %dma_start3A_71 = arith.constant 0 : i32
    %dma_start3A_72 = arith.constant 0 : i32
    %dma_start3A_73 = tpu.memref_slice %arg3[%dma_start3A_71, %dma_start3A_72] : memref<100000x128xf32, #tpu.memory_space<hbm>> -> memref<100000x128xf32, #tpu.memory_space<hbm>>
    tpu.enqueue_indirect_dma source(%dma_start3A_73 : memref<100000x128xf32, #tpu.memory_space<hbm>>) target(%dma_start3A_67 : memref<128x128xf32, #tpu.memory_space<vmem>>) offsets(%dma_start3A_70 : memref<128xi32, #tpu.memory_space<vmem>>) semaphore(%arg10 : memref<!tpu.dma_semaphore, #tpu.memory_space<semaphore_mem>>)
    %dma_start3A_74 = arith.constant 0 : i32
    %dma_start3A_75 = arith.constant 1 : i32
    %dma_start3A_76 = arith.constant 0 : i32
    %dma_start3A_77 = arith.constant 128 : i32
    %dma_start3A_78 = arith.constant 0 : i32
    %dma_start3A_79 = tpu.memref_slice %arg6[%dma_start3A_76, %dma_start3A_77, %dma_start3A_78] : memref<3x256x128xf32, #tpu.memory_space<vmem>> -> memref<1x128x128xf32, #tpu.memory_space<vmem>>
    %dma_start3A_80 = tpu.memref_squeeze %dma_start3A_79 : memref<1x128x128xf32, #tpu.memory_space<vmem>> -> memref<128x128xf32, #tpu.memory_space<vmem>>
    %dma_start3A_81 = arith.constant 0 : i32
    %dma_start3A_82 = tpu.memref_slice %arg5[%dma_start3A_74, %dma_start3A_75, %dma_start3A_81] : memref<3x2x128xi32, #tpu.memory_space<vmem>> -> memref<1x1x128xi32, #tpu.memory_space<vmem>>
    %dma_start3A_83 = tpu.memref_squeeze %dma_start3A_82 : memref<1x1x128xi32, #tpu.memory_space<vmem>> -> memref<128xi32, #tpu.memory_space<vmem>>
    %dma_start3A_84 = arith.constant 0 : i32
    %dma_start3A_85 = arith.constant 0 : i32
    %dma_start3A_86 = tpu.memref_slice %arg3[%dma_start3A_84, %dma_start3A_85] : memref<100000x128xf32, #tpu.memory_space<hbm>> -> memref<100000x128xf32, #tpu.memory_space<hbm>>
    tpu.enqueue_indirect_dma source(%dma_start3A_86 : memref<100000x128xf32, #tpu.memory_space<hbm>>) target(%dma_start3A_80 : memref<128x128xf32, #tpu.memory_space<vmem>>) offsets(%dma_start3A_83 : memref<128xi32, #tpu.memory_space<vmem>>) semaphore(%arg10 : memref<!tpu.dma_semaphore, #tpu.memory_space<semaphore_mem>>)
    %dma_wait3A_87 = arith.constant 1 : i32
    %dma_wait3A_88 = arith.constant 0 : i32
    %dma_wait3A_89 = arith.constant 0 : i32
    %dma_wait3A_90 = tpu.memref_slice %arg5[%dma_wait3A_87, %dma_wait3A_88, %dma_wait3A_89] : memref<3x2x128xi32, #tpu.memory_space<vmem>> -> memref<1x2x128xi32, #tpu.memory_space<vmem>>
    %dma_wait3A_91 = tpu.memref_squeeze %dma_wait3A_90 : memref<1x2x128xi32, #tpu.memory_space<vmem>> -> memref<2x128xi32, #tpu.memory_space<vmem>>
    %dma_wait3A_92 = arith.constant 0 : i32
    %dma_wait3A_93 = tpu.memref_slice %arg2[%mul3A_2, %dma_wait3A_92] : memref<25600x128xi32, #tpu.memory_space<hbm>> -> memref<2x128xi32, #tpu.memory_space<hbm>>
    %dma_wait3A_94 = arith.constant 0 : i32
    %dma_wait3A_95 = arith.constant 0 : i32
    %dma_wait3A_96 = tpu.memref_slice %arg5[%dma_wait3A_87, %dma_wait3A_94, %dma_wait3A_95] : memref<3x2x128xi32, #tpu.memory_space<vmem>> -> memref<1x2x128xi32, #tpu.memory_space<vmem>>
    %dma_wait3A_97 = tpu.memref_squeeze %dma_wait3A_96 : memref<1x2x128xi32, #tpu.memory_space<vmem>> -> memref<2x128xi32, #tpu.memory_space<vmem>>
    %dma_wait3A_98 = arith.constant 0 : i32
    %dma_wait3A_99 = tpu.memref_slice %arg2[%mul3A_2, %dma_wait3A_98] : memref<25600x128xi32, #tpu.memory_space<hbm>> -> memref<2x128xi32, #tpu.memory_space<hbm>>
    tpu.wait_dma2 semaphore(%arg8 : memref<!tpu.dma_semaphore, #tpu.memory_space<semaphore_mem>>) src(%dma_wait3A_99 : memref<2x128xi32, #tpu.memory_space<hbm>>) dst(%dma_wait3A_97 : memref<2x128xi32, #tpu.memory_space<vmem>>)
    %dma_start3A_100 = arith.constant 1 : i32
    %dma_start3A_101 = arith.constant 0 : i32
    %dma_start3A_102 = arith.constant 1 : i32
    %dma_start3A_103 = arith.constant 0 : i32
    %dma_start3A_104 = arith.constant 0 : i32
    %dma_start3A_105 = tpu.memref_slice %arg6[%dma_start3A_102, %dma_start3A_103, %dma_start3A_104] : memref<3x256x128xf32, #tpu.memory_space<vmem>> -> memref<1x128x128xf32, #tpu.memory_space<vmem>>
    %dma_start3A_106 = tpu.memref_squeeze %dma_start3A_105 : memref<1x128x128xf32, #tpu.memory_space<vmem>> -> memref<128x128xf32, #tpu.memory_space<vmem>>
    %dma_start3A_107 = arith.constant 0 : i32
    %dma_start3A_108 = tpu.memref_slice %arg5[%dma_start3A_100, %dma_start3A_101, %dma_start3A_107] : memref<3x2x128xi32, #tpu.memory_space<vmem>> -> memref<1x1x128xi32, #tpu.memory_space<vmem>>
    %dma_start3A_109 = tpu.memref_squeeze %dma_start3A_108 : memref<1x1x128xi32, #tpu.memory_space<vmem>> -> memref<128xi32, #tpu.memory_space<vmem>>
    %dma_start3A_110 = arith.constant 0 : i32
    %dma_start3A_111 = arith.constant 0 : i32
    %dma_start3A_112 = tpu.memref_slice %arg3[%dma_start3A_110, %dma_start3A_111] : memref<100000x128xf32, #tpu.memory_space<hbm>> -> memref<100000x128xf32, #tpu.memory_space<hbm>>
    tpu.enqueue_indirect_dma source(%dma_start3A_112 : memref<100000x128xf32, #tpu.memory_space<hbm>>) target(%dma_start3A_106 : memref<128x128xf32, #tpu.memory_space<vmem>>) offsets(%dma_start3A_109 : memref<128xi32, #tpu.memory_space<vmem>>) semaphore(%arg11 : memref<!tpu.dma_semaphore, #tpu.memory_space<semaphore_mem>>)
    %dma_start3A_113 = arith.constant 1 : i32
    %dma_start3A_114 = arith.constant 1 : i32
    %dma_start3A_115 = arith.constant 1 : i32
    %dma_start3A_116 = arith.constant 128 : i32
    %dma_start3A_117 = arith.constant 0 : i32
    %dma_start3A_118 = tpu.memref_slice %arg6[%dma_start3A_115, %dma_start3A_116, %dma_start3A_117] : memref<3x256x128xf32, #tpu.memory_space<vmem>> -> memref<1x128x128xf32, #tpu.memory_space<vmem>>
    %dma_start3A_119 = tpu.memref_squeeze %dma_start3A_118 : memref<1x128x128xf32, #tpu.memory_space<vmem>> -> memref<128x128xf32, #tpu.memory_space<vmem>>
    %dma_start3A_120 = arith.constant 0 : i32
    %dma_start3A_121 = tpu.memref_slice %arg5[%dma_start3A_113, %dma_start3A_114, %dma_start3A_120] : memref<3x2x128xi32, #tpu.memory_space<vmem>> -> memref<1x1x128xi32, #tpu.memory_space<vmem>>
    %dma_start3A_122 = tpu.memref_squeeze %dma_start3A_121 : memref<1x1x128xi32, #tpu.memory_space<vmem>> -> memref<128xi32, #tpu.memory_space<vmem>>
    %dma_start3A_123 = arith.constant 0 : i32
    %dma_start3A_124 = arith.constant 0 : i32
    %dma_start3A_125 = tpu.memref_slice %arg3[%dma_start3A_123, %dma_start3A_124] : memref<100000x128xf32, #tpu.memory_space<hbm>> -> memref<100000x128xf32, #tpu.memory_space<hbm>>
    tpu.enqueue_indirect_dma source(%dma_start3A_125 : memref<100000x128xf32, #tpu.memory_space<hbm>>) target(%dma_start3A_119 : memref<128x128xf32, #tpu.memory_space<vmem>>) offsets(%dma_start3A_122 : memref<128xi32, #tpu.memory_space<vmem>>) semaphore(%arg11 : memref<!tpu.dma_semaphore, #tpu.memory_space<semaphore_mem>>)
    %dma_wait3A_126 = arith.constant 0 : i32
    %dma_wait3A_127 = arith.constant 0 : i32
    %dma_wait3A_128 = arith.constant 0 : i32
    %dma_wait3A_129 = arith.constant 0 : i32
    %dma_wait3A_130 = arith.constant 0 : i32
    %dma_wait3A_131 = tpu.memref_slice %arg6[%dma_wait3A_128, %dma_wait3A_129, %dma_wait3A_130] : memref<3x256x128xf32, #tpu.memory_space<vmem>> -> memref<1x128x128xf32, #tpu.memory_space<vmem>>
    %dma_wait3A_132 = tpu.memref_squeeze %dma_wait3A_131 : memref<1x128x128xf32, #tpu.memory_space<vmem>> -> memref<128x128xf32, #tpu.memory_space<vmem>>
    %dma_wait3A_133 = arith.constant 0 : i32
    %dma_wait3A_134 = tpu.memref_slice %arg5[%dma_wait3A_126, %dma_wait3A_127, %dma_wait3A_133] : memref<3x2x128xi32, #tpu.memory_space<vmem>> -> memref<1x1x128xi32, #tpu.memory_space<vmem>>
    %dma_wait3A_135 = tpu.memref_squeeze %dma_wait3A_134 : memref<1x1x128xi32, #tpu.memory_space<vmem>> -> memref<128xi32, #tpu.memory_space<vmem>>
    %dma_wait3A_136 = arith.constant 0 : i32
    %dma_wait3A_137 = arith.constant 0 : i32
    %dma_wait3A_138 = tpu.memref_slice %arg3[%dma_wait3A_136, %dma_wait3A_137] : memref<100000x128xf32, #tpu.memory_space<hbm>> -> memref<100000x128xf32, #tpu.memory_space<hbm>>
    tpu.wait_indirect_dma semaphore(%arg10 : memref<!tpu.dma_semaphore, #tpu.memory_space<semaphore_mem>>) src(%dma_wait3A_138 : memref<100000x128xf32, #tpu.memory_space<hbm>>) dst(%dma_wait3A_132 : memref<128x128xf32, #tpu.memory_space<vmem>>)
    %dma_wait3A_139 = arith.constant 0 : i32
    %dma_wait3A_140 = arith.constant 1 : i32
    %dma_wait3A_141 = arith.constant 0 : i32
    %dma_wait3A_142 = arith.constant 128 : i32
    %dma_wait3A_143 = arith.constant 0 : i32
    %dma_wait3A_144 = tpu.memref_slice %arg6[%dma_wait3A_141, %dma_wait3A_142, %dma_wait3A_143] : memref<3x256x128xf32, #tpu.memory_space<vmem>> -> memref<1x128x128xf32, #tpu.memory_space<vmem>>
    %dma_wait3A_145 = tpu.memref_squeeze %dma_wait3A_144 : memref<1x128x128xf32, #tpu.memory_space<vmem>> -> memref<128x128xf32, #tpu.memory_space<vmem>>
    %dma_wait3A_146 = arith.constant 0 : i32
    %dma_wait3A_147 = tpu.memref_slice %arg5[%dma_wait3A_139, %dma_wait3A_140, %dma_wait3A_146] : memref<3x2x128xi32, #tpu.memory_space<vmem>> -> memref<1x1x128xi32, #tpu.memory_space<vmem>>
    %dma_wait3A_148 = tpu.memref_squeeze %dma_wait3A_147 : memref<1x1x128xi32, #tpu.memory_space<vmem>> -> memref<128xi32, #tpu.memory_space<vmem>>
    %dma_wait3A_149 = arith.constant 0 : i32
    %dma_wait3A_150 = arith.constant 0 : i32
    %dma_wait3A_151 = tpu.memref_slice %arg3[%dma_wait3A_149, %dma_wait3A_150] : memref<100000x128xf32, #tpu.memory_space<hbm>> -> memref<100000x128xf32, #tpu.memory_space<hbm>>
    tpu.wait_indirect_dma semaphore(%arg10 : memref<!tpu.dma_semaphore, #tpu.memory_space<semaphore_mem>>) src(%dma_wait3A_151 : memref<100000x128xf32, #tpu.memory_space<hbm>>) dst(%dma_wait3A_145 : memref<128x128xf32, #tpu.memory_space<vmem>>)
    %add3A_152 = arith.constant 6 : i32
    %add3A_153 = arith.addi %mul3A_2, %add3A_152 : i32
    %dma_start3A_154 = arith.constant 0 : i32
    %dma_start3A_155 = arith.constant 0 : i32
    %dma_start3A_156 = arith.constant 0 : i32
    %dma_start3A_157 = tpu.memref_slice %arg5[%dma_start3A_154, %dma_start3A_155, %dma_start3A_156] : memref<3x2x128xi32, #tpu.memory_space<vmem>> -> memref<1x2x128xi32, #tpu.memory_space<vmem>>
    %dma_start3A_158 = tpu.memref_squeeze %dma_start3A_157 : memref<1x2x128xi32, #tpu.memory_space<vmem>> -> memref<2x128xi32, #tpu.memory_space<vmem>>
    %dma_start3A_159 = arith.constant 0 : i32
    %dma_start3A_160 = tpu.memref_slice %arg2[%add3A_153, %dma_start3A_159] : memref<25600x128xi32, #tpu.memory_space<hbm>> -> memref<2x128xi32, #tpu.memory_space<hbm>>
    %dma_start3A_161 = arith.constant 0 : i32
    %dma_start3A_162 = arith.constant 0 : i32
    %dma_start3A_163 = tpu.memref_slice %arg5[%dma_start3A_154, %dma_start3A_161, %dma_start3A_162] : memref<3x2x128xi32, #tpu.memory_space<vmem>> -> memref<1x2x128xi32, #tpu.memory_space<vmem>>
    %dma_start3A_164 = tpu.memref_squeeze %dma_start3A_163 : memref<1x2x128xi32, #tpu.memory_space<vmem>> -> memref<2x128xi32, #tpu.memory_space<vmem>>
    %dma_start3A_165 = arith.constant 0 : i32
    %dma_start3A_166 = tpu.memref_slice %arg2[%add3A_153, %dma_start3A_165] : memref<25600x128xi32, #tpu.memory_space<hbm>> -> memref<2x128xi32, #tpu.memory_space<hbm>>
    tpu.enqueue_dma source(%dma_start3A_166 : memref<2x128xi32, #tpu.memory_space<hbm>>) target(%dma_start3A_164 : memref<2x128xi32, #tpu.memory_space<vmem>>) target_semaphore(%arg7 : memref<!tpu.dma_semaphore, #tpu.memory_space<semaphore_mem>>)
    %add3A_167 = arith.constant 0 : i32
    %add3A_168 = arith.addi %mul3A_4, %add3A_167 : i32
    %dma_start3A_169 = arith.constant 0 : i32
    %dma_start3A_170 = arith.constant 0 : i32
    %dma_start3A_171 = arith.constant 0 : i32
    %dma_start3A_172 = tpu.memref_slice %arg6[%dma_start3A_169, %dma_start3A_170, %dma_start3A_171] : memref<3x256x128xf32, #tpu.memory_space<vmem>> -> memref<1x256x128xf32, #tpu.memory_space<vmem>>
    %dma_start3A_173 = tpu.memref_squeeze %dma_start3A_172 : memref<1x256x128xf32, #tpu.memory_space<vmem>> -> memref<256x128xf32, #tpu.memory_space<vmem>>
    %dma_start3A_174 = arith.constant 0 : i32
    %dma_start3A_175 = tpu.memref_slice %arg4[%add3A_168, %dma_start3A_174] : memref<3276800x128xf32, #tpu.memory_space<hbm>> -> memref<256x128xf32, #tpu.memory_space<hbm>>
    %dma_start3A_176 = arith.constant 0 : i32
    %dma_start3A_177 = tpu.memref_slice %arg4[%add3A_168, %dma_start3A_176] : memref<3276800x128xf32, #tpu.memory_space<hbm>> -> memref<256x128xf32, #tpu.memory_space<hbm>>
    %dma_start3A_178 = arith.constant 0 : i32
    %dma_start3A_179 = arith.constant 0 : i32
    %dma_start3A_180 = tpu.memref_slice %arg6[%dma_start3A_169, %dma_start3A_178, %dma_start3A_179] : memref<3x256x128xf32, #tpu.memory_space<vmem>> -> memref<1x256x128xf32, #tpu.memory_space<vmem>>
    %dma_start3A_181 = tpu.memref_squeeze %dma_start3A_180 : memref<1x256x128xf32, #tpu.memory_space<vmem>> -> memref<256x128xf32, #tpu.memory_space<vmem>>
    tpu.enqueue_dma source(%dma_start3A_181 : memref<256x128xf32, #tpu.memory_space<vmem>>) target(%dma_start3A_177 : memref<256x128xf32, #tpu.memory_space<hbm>>) target_semaphore(%arg13 : memref<!tpu.dma_semaphore, #tpu.memory_space<semaphore_mem>>)
    %dma_wait3A_182 = arith.constant 2 : i32
    %dma_wait3A_183 = arith.constant 0 : i32
    %dma_wait3A_184 = arith.constant 0 : i32
    %dma_wait3A_185 = tpu.memref_slice %arg5[%dma_wait3A_182, %dma_wait3A_183, %dma_wait3A_184] : memref<3x2x128xi32, #tpu.memory_space<vmem>> -> memref<1x2x128xi32, #tpu.memory_space<vmem>>
    %dma_wait3A_186 = tpu.memref_squeeze %dma_wait3A_185 : memref<1x2x128xi32, #tpu.memory_space<vmem>> -> memref<2x128xi32, #tpu.memory_space<vmem>>
    %dma_wait3A_187 = arith.constant 0 : i32
    %dma_wait3A_188 = tpu.memref_slice %arg2[%mul3A_2, %dma_wait3A_187] : memref<25600x128xi32, #tpu.memory_space<hbm>> -> memref<2x128xi32, #tpu.memory_space<hbm>>
    %dma_wait3A_189 = arith.constant 0 : i32
    %dma_wait3A_190 = arith.constant 0 : i32
    %dma_wait3A_191 = tpu.memref_slice %arg5[%dma_wait3A_182, %dma_wait3A_189, %dma_wait3A_190] : memref<3x2x128xi32, #tpu.memory_space<vmem>> -> memref<1x2x128xi32, #tpu.memory_space<vmem>>
    %dma_wait3A_192 = tpu.memref_squeeze %dma_wait3A_191 : memref<1x2x128xi32, #tpu.memory_space<vmem>> -> memref<2x128xi32, #tpu.memory_space<vmem>>
    %dma_wait3A_193 = arith.constant 0 : i32
    %dma_wait3A_194 = tpu.memref_slice %arg2[%mul3A_2, %dma_wait3A_193] : memref<25600x128xi32, #tpu.memory_space<hbm>> -> memref<2x128xi32, #tpu.memory_space<hbm>>
    tpu.wait_dma2 semaphore(%arg9 : memref<!tpu.dma_semaphore, #tpu.memory_space<semaphore_mem>>) src(%dma_wait3A_194 : memref<2x128xi32, #tpu.memory_space<hbm>>) dst(%dma_wait3A_192 : memref<2x128xi32, #tpu.memory_space<vmem>>)
    %dma_start3A_195 = arith.constant 2 : i32
    %dma_start3A_196 = arith.constant 0 : i32
    %dma_start3A_197 = arith.constant 2 : i32
    %dma_start3A_198 = arith.constant 0 : i32
    %dma_start3A_199 = arith.constant 0 : i32
    %dma_start3A_200 = tpu.memref_slice %arg6[%dma_start3A_197, %dma_start3A_198, %dma_start3A_199] : memref<3x256x128xf32, #tpu.memory_space<vmem>> -> memref<1x128x128xf32, #tpu.memory_space<vmem>>
    %dma_start3A_201 = tpu.memref_squeeze %dma_start3A_200 : memref<1x128x128xf32, #tpu.memory_space<vmem>> -> memref<128x128xf32, #tpu.memory_space<vmem>>
    %dma_start3A_202 = arith.constant 0 : i32
    %dma_start3A_203 = tpu.memref_slice %arg5[%dma_start3A_195, %dma_start3A_196, %dma_start3A_202] : memref<3x2x128xi32, #tpu.memory_space<vmem>> -> memref<1x1x128xi32, #tpu.memory_space<vmem>>
    %dma_start3A_204 = tpu.memref_squeeze %dma_start3A_203 : memref<1x1x128xi32, #tpu.memory_space<vmem>> -> memref<128xi32, #tpu.memory_space<vmem>>
    %dma_start3A_205 = arith.constant 0 : i32
    %dma_start3A_206 = arith.constant 0 : i32
    %dma_start3A_207 = tpu.memref_slice %arg3[%dma_start3A_205, %dma_start3A_206] : memref<100000x128xf32, #tpu.memory_space<hbm>> -> memref<100000x128xf32, #tpu.memory_space<hbm>>
    tpu.enqueue_indirect_dma source(%dma_start3A_207 : memref<100000x128xf32, #tpu.memory_space<hbm>>) target(%dma_start3A_201 : memref<128x128xf32, #tpu.memory_space<vmem>>) offsets(%dma_start3A_204 : memref<128xi32, #tpu.memory_space<vmem>>) semaphore(%arg12 : memref<!tpu.dma_semaphore, #tpu.memory_space<semaphore_mem>>)
    %dma_start3A_208 = arith.constant 2 : i32
    %dma_start3A_209 = arith.constant 1 : i32
    %dma_start3A_210 = arith.constant 2 : i32
    %dma_start3A_211 = arith.constant 128 : i32
    %dma_start3A_212 = arith.constant 0 : i32
    %dma_start3A_213 = tpu.memref_slice %arg6[%dma_start3A_210, %dma_start3A_211, %dma_start3A_212] : memref<3x256x128xf32, #tpu.memory_space<vmem>> -> memref<1x128x128xf32, #tpu.memory_space<vmem>>
    %dma_start3A_214 = tpu.memref_squeeze %dma_start3A_213 : memref<1x128x128xf32, #tpu.memory_space<vmem>> -> memref<128x128xf32, #tpu.memory_space<vmem>>
    %dma_start3A_215 = arith.constant 0 : i32
    %dma_start3A_216 = tpu.memref_slice %arg5[%dma_start3A_208, %dma_start3A_209, %dma_start3A_215] : memref<3x2x128xi32, #tpu.memory_space<vmem>> -> memref<1x1x128xi32, #tpu.memory_space<vmem>>
    %dma_start3A_217 = tpu.memref_squeeze %dma_start3A_216 : memref<1x1x128xi32, #tpu.memory_space<vmem>> -> memref<128xi32, #tpu.memory_space<vmem>>
    %dma_start3A_218 = arith.constant 0 : i32
    %dma_start3A_219 = arith.constant 0 : i32
    %dma_start3A_220 = tpu.memref_slice %arg3[%dma_start3A_218, %dma_start3A_219] : memref<100000x128xf32, #tpu.memory_space<hbm>> -> memref<100000x128xf32, #tpu.memory_space<hbm>>
    tpu.enqueue_indirect_dma source(%dma_start3A_220 : memref<100000x128xf32, #tpu.memory_space<hbm>>) target(%dma_start3A_214 : memref<128x128xf32, #tpu.memory_space<vmem>>) offsets(%dma_start3A_217 : memref<128xi32, #tpu.memory_space<vmem>>) semaphore(%arg12 : memref<!tpu.dma_semaphore, #tpu.memory_space<semaphore_mem>>)
    %dma_wait3A_221 = arith.constant 1 : i32
    %dma_wait3A_222 = arith.constant 0 : i32
    %dma_wait3A_223 = arith.constant 1 : i32
    %dma_wait3A_224 = arith.constant 0 : i32
    %dma_wait3A_225 = arith.constant 0 : i32
    %dma_wait3A_226 = tpu.memref_slice %arg6[%dma_wait3A_223, %dma_wait3A_224, %dma_wait3A_225] : memref<3x256x128xf32, #tpu.memory_space<vmem>> -> memref<1x128x128xf32, #tpu.memory_space<vmem>>
    %dma_wait3A_227 = tpu.memref_squeeze %dma_wait3A_226 : memref<1x128x128xf32, #tpu.memory_space<vmem>> -> memref<128x128xf32, #tpu.memory_space<vmem>>
    %dma_wait3A_228 = arith.constant 0 : i32
    %dma_wait3A_229 = tpu.memref_slice %arg5[%dma_wait3A_221, %dma_wait3A_222, %dma_wait3A_228] : memref<3x2x128xi32, #tpu.memory_space<vmem>> -> memref<1x1x128xi32, #tpu.memory_space<vmem>>
    %dma_wait3A_230 = tpu.memref_squeeze %dma_wait3A_229 : memref<1x1x128xi32, #tpu.memory_space<vmem>> -> memref<128xi32, #tpu.memory_space<vmem>>
    %dma_wait3A_231 = arith.constant 0 : i32
    %dma_wait3A_232 = arith.constant 0 : i32
    %dma_wait3A_233 = tpu.memref_slice %arg3[%dma_wait3A_231, %dma_wait3A_232] : memref<100000x128xf32, #tpu.memory_space<hbm>> -> memref<100000x128xf32, #tpu.memory_space<hbm>>
    tpu.wait_indirect_dma semaphore(%arg11 : memref<!tpu.dma_semaphore, #tpu.memory_space<semaphore_mem>>) src(%dma_wait3A_233 : memref<100000x128xf32, #tpu.memory_space<hbm>>) dst(%dma_wait3A_227 : memref<128x128xf32, #tpu.memory_space<vmem>>)
    %dma_wait3A_234 = arith.constant 1 : i32
    %dma_wait3A_235 = arith.constant 1 : i32
    %dma_wait3A_236 = arith.constant 1 : i32
    %dma_wait3A_237 = arith.constant 128 : i32
    %dma_wait3A_238 = arith.constant 0 : i32
    %dma_wait3A_239 = tpu.memref_slice %arg6[%dma_wait3A_236, %dma_wait3A_237, %dma_wait3A_238] : memref<3x256x128xf32, #tpu.memory_space<vmem>> -> memref<1x128x128xf32, #tpu.memory_space<vmem>>
    %dma_wait3A_240 = tpu.memref_squeeze %dma_wait3A_239 : memref<1x128x128xf32, #tpu.memory_space<vmem>> -> memref<128x128xf32, #tpu.memory_space<vmem>>
    %dma_wait3A_241 = arith.constant 0 : i32
    %dma_wait3A_242 = tpu.memref_slice %arg5[%dma_wait3A_234, %dma_wait3A_235, %dma_wait3A_241] : memref<3x2x128xi32, #tpu.memory_space<vmem>> -> memref<1x1x128xi32, #tpu.memory_space<vmem>>
    %dma_wait3A_243 = tpu.memref_squeeze %dma_wait3A_242 : memref<1x1x128xi32, #tpu.memory_space<vmem>> -> memref<128xi32, #tpu.memory_space<vmem>>
    %dma_wait3A_244 = arith.constant 0 : i32
    %dma_wait3A_245 = arith.constant 0 : i32
    %dma_wait3A_246 = tpu.memref_slice %arg3[%dma_wait3A_244, %dma_wait3A_245] : memref<100000x128xf32, #tpu.memory_space<hbm>> -> memref<100000x128xf32, #tpu.memory_space<hbm>>
    tpu.wait_indirect_dma semaphore(%arg11 : memref<!tpu.dma_semaphore, #tpu.memory_space<semaphore_mem>>) src(%dma_wait3A_246 : memref<100000x128xf32, #tpu.memory_space<hbm>>) dst(%dma_wait3A_240 : memref<128x128xf32, #tpu.memory_space<vmem>>)
    %add3A_247 = arith.constant 8 : i32
    %add3A_248 = arith.addi %mul3A_2, %add3A_247 : i32
    %dma_start3A_249 = arith.constant 1 : i32
    %dma_start3A_250 = arith.constant 0 : i32
    %dma_start3A_251 = arith.constant 0 : i32
    %dma_start3A_252 = tpu.memref_slice %arg5[%dma_start3A_249, %dma_start3A_250, %dma_start3A_251] : memref<3x2x128xi32, #tpu.memory_space<vmem>> -> memref<1x2x128xi32, #tpu.memory_space<vmem>>
    %dma_start3A_253 = tpu.memref_squeeze %dma_start3A_252 : memref<1x2x128xi32, #tpu.memory_space<vmem>> -> memref<2x128xi32, #tpu.memory_space<vmem>>
    %dma_start3A_254 = arith.constant 0 : i32
    %dma_start3A_255 = tpu.memref_slice %arg2[%add3A_248, %dma_start3A_254] : memref<25600x128xi32, #tpu.memory_space<hbm>> -> memref<2x128xi32, #tpu.memory_space<hbm>>
    %dma_start3A_256 = arith.constant 0 : i32
    %dma_start3A_257 = arith.constant 0 : i32
    %dma_start3A_258 = tpu.memref_slice %arg5[%dma_start3A_249, %dma_start3A_256, %dma_start3A_257] : memref<3x2x128xi32, #tpu.memory_space<vmem>> -> memref<1x2x128xi32, #tpu.memory_space<vmem>>
    %dma_start3A_259 = tpu.memref_squeeze %dma_start3A_258 : memref<1x2x128xi32, #tpu.memory_space<vmem>> -> memref<2x128xi32, #tpu.memory_space<vmem>>
    %dma_start3A_260 = arith.constant 0 : i32
    %dma_start3A_261 = tpu.memref_slice %arg2[%add3A_248, %dma_start3A_260] : memref<25600x128xi32, #tpu.memory_space<hbm>> -> memref<2x128xi32, #tpu.memory_space<hbm>>
    tpu.enqueue_dma source(%dma_start3A_261 : memref<2x128xi32, #tpu.memory_space<hbm>>) target(%dma_start3A_259 : memref<2x128xi32, #tpu.memory_space<vmem>>) target_semaphore(%arg8 : memref<!tpu.dma_semaphore, #tpu.memory_space<semaphore_mem>>)
    %add3A_262 = arith.constant 256 : i32
    %add3A_263 = arith.addi %mul3A_4, %add3A_262 : i32
    %dma_start3A_264 = arith.constant 1 : i32
    %dma_start3A_265 = arith.constant 0 : i32
    %dma_start3A_266 = arith.constant 0 : i32
    %dma_start3A_267 = tpu.memref_slice %arg6[%dma_start3A_264, %dma_start3A_265, %dma_start3A_266] : memref<3x256x128xf32, #tpu.memory_space<vmem>> -> memref<1x256x128xf32, #tpu.memory_space<vmem>>
    %dma_start3A_268 = tpu.memref_squeeze %dma_start3A_267 : memref<1x256x128xf32, #tpu.memory_space<vmem>> -> memref<256x128xf32, #tpu.memory_space<vmem>>
    %dma_start3A_269 = arith.constant 0 : i32
    %dma_start3A_270 = tpu.memref_slice %arg4[%add3A_263, %dma_start3A_269] : memref<3276800x128xf32, #tpu.memory_space<hbm>> -> memref<256x128xf32, #tpu.memory_space<hbm>>
    %dma_start3A_271 = arith.constant 0 : i32
    %dma_start3A_272 = tpu.memref_slice %arg4[%add3A_263, %dma_start3A_271] : memref<3276800x128xf32, #tpu.memory_space<hbm>> -> memref<256x128xf32, #tpu.memory_space<hbm>>
    %dma_start3A_273 = arith.constant 0 : i32
    %dma_start3A_274 = arith.constant 0 : i32
    %dma_start3A_275 = tpu.memref_slice %arg6[%dma_start3A_264, %dma_start3A_273, %dma_start3A_274] : memref<3x256x128xf32, #tpu.memory_space<vmem>> -> memref<1x256x128xf32, #tpu.memory_space<vmem>>
    %dma_start3A_276 = tpu.memref_squeeze %dma_start3A_275 : memref<1x256x128xf32, #tpu.memory_space<vmem>> -> memref<256x128xf32, #tpu.memory_space<vmem>>
    tpu.enqueue_dma source(%dma_start3A_276 : memref<256x128xf32, #tpu.memory_space<vmem>>) target(%dma_start3A_272 : memref<256x128xf32, #tpu.memory_space<hbm>>) target_semaphore(%arg14 : memref<!tpu.dma_semaphore, #tpu.memory_space<semaphore_mem>>)
    %scan3A = arith.constant 0 : i32
    %scan3A_277 = arith.constant 395 : i32
    %scan3A_278 = arith.addi %scan3A, %scan3A_277 : i32
    %scan3A_279 = arith.constant 1 : i32
    scf.for %scan3A_547 = %scan3A to %scan3A_278 step %scan3A_279  : i32 {
      %mul3A_548 = arith.constant 1 : i32
      %mul3A_549 = arith.muli %scan3A_547, %mul3A_548 : i32
      %add3A_550 = arith.constant 3 : i32
      %add3A_551 = arith.addi %add3A_550, %mul3A_549 : i32
      %jit3A = arith.constant 3 : i32
      %eq3A = arith.constant 0 : i32
      %eq3A_552 = arith.cmpi eq, %jit3A, %eq3A : i32
      %jit3A_553 = arith.constant 1 : i32
      %select_n3A = arith.select %eq3A_552, %jit3A_553, %jit3A : i32
      %rem3A = arith.remsi %add3A_551, %select_n3A : i32
      %ne3A = arith.constant 0 : i32
      %ne3A_554 = arith.cmpi ne, %rem3A, %ne3A : i32
      %lt3A = arith.constant 0 : i32
      %lt3A_555 = arith.cmpi slt, %rem3A, %lt3A : i32
      %lt3A_556 = arith.constant 0 : i32
      %lt3A_557 = arith.cmpi slt, %select_n3A, %lt3A_556 : i32
      %ne3A_558 = arith.xori %lt3A_555, %lt3A_557 : i1
      %and3A = arith.andi %ne3A_558, %ne3A_554 : i1
      %add3A_559 = arith.addi %rem3A, %select_n3A : i32
      %select_n3A_560 = arith.select %and3A, %add3A_559, %rem3A : i32
      %eq3A_561 = arith.constant 0 : i32
      %eq3A_562 = arith.cmpi eq, %select_n3A_560, %eq3A_561 : i32
      %convert_element_type3A = arith.extui %eq3A_562 : i1 to i32
      %cond3A = arith.constant 0 : i32
      %cond3A_563 = arith.cmpi ne, %convert_element_type3A, %cond3A : i32
      scf.if %cond3A_563 {
        %dma_wait3A_606 = arith.constant 0 : i32
        %dma_wait3A_607 = arith.constant 0 : i32
        %dma_wait3A_608 = arith.constant 0 : i32
        %dma_wait3A_609 = tpu.memref_slice %arg5[%dma_wait3A_606, %dma_wait3A_607, %dma_wait3A_608] : memref<3x2x128xi32, #tpu.memory_space<vmem>> -> memref<1x2x128xi32, #tpu.memory_space<vmem>>
        %dma_wait3A_610 = tpu.memref_squeeze %dma_wait3A_609 : memref<1x2x128xi32, #tpu.memory_space<vmem>> -> memref<2x128xi32, #tpu.memory_space<vmem>>
        %dma_wait3A_611 = arith.constant 0 : i32
        %dma_wait3A_612 = tpu.memref_slice %arg2[%mul3A_2, %dma_wait3A_611] : memref<25600x128xi32, #tpu.memory_space<hbm>> -> memref<2x128xi32, #tpu.memory_space<hbm>>
        %dma_wait3A_613 = arith.constant 0 : i32
        %dma_wait3A_614 = arith.constant 0 : i32
        %dma_wait3A_615 = tpu.memref_slice %arg5[%dma_wait3A_606, %dma_wait3A_613, %dma_wait3A_614] : memref<3x2x128xi32, #tpu.memory_space<vmem>> -> memref<1x2x128xi32, #tpu.memory_space<vmem>>
        %dma_wait3A_616 = tpu.memref_squeeze %dma_wait3A_615 : memref<1x2x128xi32, #tpu.memory_space<vmem>> -> memref<2x128xi32, #tpu.memory_space<vmem>>
        %dma_wait3A_617 = arith.constant 0 : i32
        %dma_wait3A_618 = tpu.memref_slice %arg2[%mul3A_2, %dma_wait3A_617] : memref<25600x128xi32, #tpu.memory_space<hbm>> -> memref<2x128xi32, #tpu.memory_space<hbm>>
        tpu.wait_dma2 semaphore(%arg7 : memref<!tpu.dma_semaphore, #tpu.memory_space<semaphore_mem>>) src(%dma_wait3A_618 : memref<2x128xi32, #tpu.memory_space<hbm>>) dst(%dma_wait3A_616 : memref<2x128xi32, #tpu.memory_space<vmem>>)
        %dma_wait3A_619 = arith.constant 0 : i32
        %dma_wait3A_620 = arith.constant 0 : i32
        %dma_wait3A_621 = arith.constant 0 : i32
        %dma_wait3A_622 = tpu.memref_slice %arg6[%dma_wait3A_619, %dma_wait3A_620, %dma_wait3A_621] : memref<3x256x128xf32, #tpu.memory_space<vmem>> -> memref<1x256x128xf32, #tpu.memory_space<vmem>>
        %dma_wait3A_623 = tpu.memref_squeeze %dma_wait3A_622 : memref<1x256x128xf32, #tpu.memory_space<vmem>> -> memref<256x128xf32, #tpu.memory_space<vmem>>
        %dma_wait3A_624 = arith.constant 0 : i32
        %dma_wait3A_625 = tpu.memref_slice %arg4[%mul3A_4, %dma_wait3A_624] : memref<3276800x128xf32, #tpu.memory_space<hbm>> -> memref<256x128xf32, #tpu.memory_space<hbm>>
        %dma_wait3A_626 = arith.constant 0 : i32
        %dma_wait3A_627 = tpu.memref_slice %arg4[%mul3A_4, %dma_wait3A_626] : memref<3276800x128xf32, #tpu.memory_space<hbm>> -> memref<256x128xf32, #tpu.memory_space<hbm>>
        %dma_wait3A_628 = arith.constant 0 : i32
        %dma_wait3A_629 = arith.constant 0 : i32
        %dma_wait3A_630 = tpu.memref_slice %arg6[%dma_wait3A_619, %dma_wait3A_628, %dma_wait3A_629] : memref<3x256x128xf32, #tpu.memory_space<vmem>> -> memref<1x256x128xf32, #tpu.memory_space<vmem>>
        %dma_wait3A_631 = tpu.memref_squeeze %dma_wait3A_630 : memref<1x256x128xf32, #tpu.memory_space<vmem>> -> memref<256x128xf32, #tpu.memory_space<vmem>>
        tpu.wait_dma2 semaphore(%arg13 : memref<!tpu.dma_semaphore, #tpu.memory_space<semaphore_mem>>) src(%dma_wait3A_631 : memref<256x128xf32, #tpu.memory_space<vmem>>) dst(%dma_wait3A_627 : memref<256x128xf32, #tpu.memory_space<hbm>>)
        %dma_start3A_632 = arith.constant 0 : i32
        %dma_start3A_633 = arith.constant 0 : i32
        %dma_start3A_634 = arith.constant 0 : i32
        %dma_start3A_635 = arith.constant 0 : i32
        %dma_start3A_636 = arith.constant 0 : i32
        %dma_start3A_637 = tpu.memref_slice %arg6[%dma_start3A_634, %dma_start3A_635, %dma_start3A_636] : memref<3x256x128xf32, #tpu.memory_space<vmem>> -> memref<1x128x128xf32, #tpu.memory_space<vmem>>
        %dma_start3A_638 = tpu.memref_squeeze %dma_start3A_637 : memref<1x128x128xf32, #tpu.memory_space<vmem>> -> memref<128x128xf32, #tpu.memory_space<vmem>>
        %dma_start3A_639 = arith.constant 0 : i32
        %dma_start3A_640 = tpu.memref_slice %arg5[%dma_start3A_632, %dma_start3A_633, %dma_start3A_639] : memref<3x2x128xi32, #tpu.memory_space<vmem>> -> memref<1x1x128xi32, #tpu.memory_space<vmem>>
        %dma_start3A_641 = tpu.memref_squeeze %dma_start3A_640 : memref<1x1x128xi32, #tpu.memory_space<vmem>> -> memref<128xi32, #tpu.memory_space<vmem>>
        %dma_start3A_642 = arith.constant 0 : i32
        %dma_start3A_643 = arith.constant 0 : i32
        %dma_start3A_644 = tpu.memref_slice %arg3[%dma_start3A_642, %dma_start3A_643] : memref<100000x128xf32, #tpu.memory_space<hbm>> -> memref<100000x128xf32, #tpu.memory_space<hbm>>
        tpu.enqueue_indirect_dma source(%dma_start3A_644 : memref<100000x128xf32, #tpu.memory_space<hbm>>) target(%dma_start3A_638 : memref<128x128xf32, #tpu.memory_space<vmem>>) offsets(%dma_start3A_641 : memref<128xi32, #tpu.memory_space<vmem>>) semaphore(%arg10 : memref<!tpu.dma_semaphore, #tpu.memory_space<semaphore_mem>>)
        %dma_start3A_645 = arith.constant 0 : i32
        %dma_start3A_646 = arith.constant 1 : i32
        %dma_start3A_647 = arith.constant 0 : i32
        %dma_start3A_648 = arith.constant 128 : i32
        %dma_start3A_649 = arith.constant 0 : i32
        %dma_start3A_650 = tpu.memref_slice %arg6[%dma_start3A_647, %dma_start3A_648, %dma_start3A_649] : memref<3x256x128xf32, #tpu.memory_space<vmem>> -> memref<1x128x128xf32, #tpu.memory_space<vmem>>
        %dma_start3A_651 = tpu.memref_squeeze %dma_start3A_650 : memref<1x128x128xf32, #tpu.memory_space<vmem>> -> memref<128x128xf32, #tpu.memory_space<vmem>>
        %dma_start3A_652 = arith.constant 0 : i32
        %dma_start3A_653 = tpu.memref_slice %arg5[%dma_start3A_645, %dma_start3A_646, %dma_start3A_652] : memref<3x2x128xi32, #tpu.memory_space<vmem>> -> memref<1x1x128xi32, #tpu.memory_space<vmem>>
        %dma_start3A_654 = tpu.memref_squeeze %dma_start3A_653 : memref<1x1x128xi32, #tpu.memory_space<vmem>> -> memref<128xi32, #tpu.memory_space<vmem>>
        %dma_start3A_655 = arith.constant 0 : i32
        %dma_start3A_656 = arith.constant 0 : i32
        %dma_start3A_657 = tpu.memref_slice %arg3[%dma_start3A_655, %dma_start3A_656] : memref<100000x128xf32, #tpu.memory_space<hbm>> -> memref<100000x128xf32, #tpu.memory_space<hbm>>
        tpu.enqueue_indirect_dma source(%dma_start3A_657 : memref<100000x128xf32, #tpu.memory_space<hbm>>) target(%dma_start3A_651 : memref<128x128xf32, #tpu.memory_space<vmem>>) offsets(%dma_start3A_654 : memref<128xi32, #tpu.memory_space<vmem>>) semaphore(%arg10 : memref<!tpu.dma_semaphore, #tpu.memory_space<semaphore_mem>>)
        %dma_wait3A_658 = arith.constant 2 : i32
        %dma_wait3A_659 = arith.constant 0 : i32
        %dma_wait3A_660 = arith.constant 2 : i32
        %dma_wait3A_661 = arith.constant 0 : i32
        %dma_wait3A_662 = arith.constant 0 : i32
        %dma_wait3A_663 = tpu.memref_slice %arg6[%dma_wait3A_660, %dma_wait3A_661, %dma_wait3A_662] : memref<3x256x128xf32, #tpu.memory_space<vmem>> -> memref<1x128x128xf32, #tpu.memory_space<vmem>>
        %dma_wait3A_664 = tpu.memref_squeeze %dma_wait3A_663 : memref<1x128x128xf32, #tpu.memory_space<vmem>> -> memref<128x128xf32, #tpu.memory_space<vmem>>
        %dma_wait3A_665 = arith.constant 0 : i32
        %dma_wait3A_666 = tpu.memref_slice %arg5[%dma_wait3A_658, %dma_wait3A_659, %dma_wait3A_665] : memref<3x2x128xi32, #tpu.memory_space<vmem>> -> memref<1x1x128xi32, #tpu.memory_space<vmem>>
        %dma_wait3A_667 = tpu.memref_squeeze %dma_wait3A_666 : memref<1x1x128xi32, #tpu.memory_space<vmem>> -> memref<128xi32, #tpu.memory_space<vmem>>
        %dma_wait3A_668 = arith.constant 0 : i32
        %dma_wait3A_669 = arith.constant 0 : i32
        %dma_wait3A_670 = tpu.memref_slice %arg3[%dma_wait3A_668, %dma_wait3A_669] : memref<100000x128xf32, #tpu.memory_space<hbm>> -> memref<100000x128xf32, #tpu.memory_space<hbm>>
        tpu.wait_indirect_dma semaphore(%arg12 : memref<!tpu.dma_semaphore, #tpu.memory_space<semaphore_mem>>) src(%dma_wait3A_670 : memref<100000x128xf32, #tpu.memory_space<hbm>>) dst(%dma_wait3A_664 : memref<128x128xf32, #tpu.memory_space<vmem>>)
        %dma_wait3A_671 = arith.constant 2 : i32
        %dma_wait3A_672 = arith.constant 1 : i32
        %dma_wait3A_673 = arith.constant 2 : i32
        %dma_wait3A_674 = arith.constant 128 : i32
        %dma_wait3A_675 = arith.constant 0 : i32
        %dma_wait3A_676 = tpu.memref_slice %arg6[%dma_wait3A_673, %dma_wait3A_674, %dma_wait3A_675] : memref<3x256x128xf32, #tpu.memory_space<vmem>> -> memref<1x128x128xf32, #tpu.memory_space<vmem>>
        %dma_wait3A_677 = tpu.memref_squeeze %dma_wait3A_676 : memref<1x128x128xf32, #tpu.memory_space<vmem>> -> memref<128x128xf32, #tpu.memory_space<vmem>>
        %dma_wait3A_678 = arith.constant 0 : i32
        %dma_wait3A_679 = tpu.memref_slice %arg5[%dma_wait3A_671, %dma_wait3A_672, %dma_wait3A_678] : memref<3x2x128xi32, #tpu.memory_space<vmem>> -> memref<1x1x128xi32, #tpu.memory_space<vmem>>
        %dma_wait3A_680 = tpu.memref_squeeze %dma_wait3A_679 : memref<1x1x128xi32, #tpu.memory_space<vmem>> -> memref<128xi32, #tpu.memory_space<vmem>>
        %dma_wait3A_681 = arith.constant 0 : i32
        %dma_wait3A_682 = arith.constant 0 : i32
        %dma_wait3A_683 = tpu.memref_slice %arg3[%dma_wait3A_681, %dma_wait3A_682] : memref<100000x128xf32, #tpu.memory_space<hbm>> -> memref<100000x128xf32, #tpu.memory_space<hbm>>
        tpu.wait_indirect_dma semaphore(%arg12 : memref<!tpu.dma_semaphore, #tpu.memory_space<semaphore_mem>>) src(%dma_wait3A_683 : memref<100000x128xf32, #tpu.memory_space<hbm>>) dst(%dma_wait3A_677 : memref<128x128xf32, #tpu.memory_space<vmem>>)
        %sub3A = arith.constant 1 : i32
        %sub3A_684 = arith.subi %add3A_551, %sub3A : i32
        %add3A_685 = arith.constant 3 : i32
        %add3A_686 = arith.addi %sub3A_684, %add3A_685 : i32
        %mul3A_687 = arith.constant 2 : i32
        %mul3A_688 = arith.muli %add3A_686, %mul3A_687 : i32
        %add3A_689 = arith.addi %mul3A_2, %mul3A_688 : i32
        %dma_start3A_690 = arith.constant 2 : i32
        %dma_start3A_691 = arith.constant 0 : i32
        %dma_start3A_692 = arith.constant 0 : i32
        %dma_start3A_693 = tpu.memref_slice %arg5[%dma_start3A_690, %dma_start3A_691, %dma_start3A_692] : memref<3x2x128xi32, #tpu.memory_space<vmem>> -> memref<1x2x128xi32, #tpu.memory_space<vmem>>
        %dma_start3A_694 = tpu.memref_squeeze %dma_start3A_693 : memref<1x2x128xi32, #tpu.memory_space<vmem>> -> memref<2x128xi32, #tpu.memory_space<vmem>>
        %dma_start3A_695 = arith.constant 0 : i32
        %dma_start3A_696 = tpu.memref_slice %arg2[%add3A_689, %dma_start3A_695] : memref<25600x128xi32, #tpu.memory_space<hbm>> -> memref<2x128xi32, #tpu.memory_space<hbm>>
        %dma_start3A_697 = arith.constant 0 : i32
        %dma_start3A_698 = arith.constant 0 : i32
        %dma_start3A_699 = tpu.memref_slice %arg5[%dma_start3A_690, %dma_start3A_697, %dma_start3A_698] : memref<3x2x128xi32, #tpu.memory_space<vmem>> -> memref<1x2x128xi32, #tpu.memory_space<vmem>>
        %dma_start3A_700 = tpu.memref_squeeze %dma_start3A_699 : memref<1x2x128xi32, #tpu.memory_space<vmem>> -> memref<2x128xi32, #tpu.memory_space<vmem>>
        %dma_start3A_701 = arith.constant 0 : i32
        %dma_start3A_702 = tpu.memref_slice %arg2[%add3A_689, %dma_start3A_701] : memref<25600x128xi32, #tpu.memory_space<hbm>> -> memref<2x128xi32, #tpu.memory_space<hbm>>
        tpu.enqueue_dma source(%dma_start3A_702 : memref<2x128xi32, #tpu.memory_space<hbm>>) target(%dma_start3A_700 : memref<2x128xi32, #tpu.memory_space<vmem>>) target_semaphore(%arg9 : memref<!tpu.dma_semaphore, #tpu.memory_space<semaphore_mem>>)
        %sub3A_703 = arith.constant 1 : i32
        %sub3A_704 = arith.subi %add3A_551, %sub3A_703 : i32
        %mul3A_705 = arith.constant 256 : i32
        %mul3A_706 = arith.muli %sub3A_704, %mul3A_705 : i32
        %add3A_707 = arith.addi %mul3A_4, %mul3A_706 : i32
        %dma_start3A_708 = arith.constant 2 : i32
        %dma_start3A_709 = arith.constant 0 : i32
        %dma_start3A_710 = arith.constant 0 : i32
        %dma_start3A_711 = tpu.memref_slice %arg6[%dma_start3A_708, %dma_start3A_709, %dma_start3A_710] : memref<3x256x128xf32, #tpu.memory_space<vmem>> -> memref<1x256x128xf32, #tpu.memory_space<vmem>>
        %dma_start3A_712 = tpu.memref_squeeze %dma_start3A_711 : memref<1x256x128xf32, #tpu.memory_space<vmem>> -> memref<256x128xf32, #tpu.memory_space<vmem>>
        %dma_start3A_713 = arith.constant 0 : i32
        %dma_start3A_714 = tpu.memref_slice %arg4[%add3A_707, %dma_start3A_713] : memref<3276800x128xf32, #tpu.memory_space<hbm>> -> memref<256x128xf32, #tpu.memory_space<hbm>>
        %dma_start3A_715 = arith.constant 0 : i32
        %dma_start3A_716 = tpu.memref_slice %arg4[%add3A_707, %dma_start3A_715] : memref<3276800x128xf32, #tpu.memory_space<hbm>> -> memref<256x128xf32, #tpu.memory_space<hbm>>
        %dma_start3A_717 = arith.constant 0 : i32
        %dma_start3A_718 = arith.constant 0 : i32
        %dma_start3A_719 = tpu.memref_slice %arg6[%dma_start3A_708, %dma_start3A_717, %dma_start3A_718] : memref<3x256x128xf32, #tpu.memory_space<vmem>> -> memref<1x256x128xf32, #tpu.memory_space<vmem>>
        %dma_start3A_720 = tpu.memref_squeeze %dma_start3A_719 : memref<1x256x128xf32, #tpu.memory_space<vmem>> -> memref<256x128xf32, #tpu.memory_space<vmem>>
        tpu.enqueue_dma source(%dma_start3A_720 : memref<256x128xf32, #tpu.memory_space<vmem>>) target(%dma_start3A_716 : memref<256x128xf32, #tpu.memory_space<hbm>>) target_semaphore(%arg15 : memref<!tpu.dma_semaphore, #tpu.memory_space<semaphore_mem>>)
      } else {
      }
      %jit3A_564 = arith.constant 3 : i32
      %eq3A_565 = arith.constant 0 : i32
      %eq3A_566 = arith.cmpi eq, %jit3A_564, %eq3A_565 : i32
      %jit3A_567 = arith.constant 1 : i32
      %select_n3A_568 = arith.select %eq3A_566, %jit3A_567, %jit3A_564 : i32
      %rem3A_569 = arith.remsi %add3A_551, %select_n3A_568 : i32
      %ne3A_570 = arith.constant 0 : i32
      %ne3A_571 = arith.cmpi ne, %rem3A_569, %ne3A_570 : i32
      %lt3A_572 = arith.constant 0 : i32
      %lt3A_573 = arith.cmpi slt, %rem3A_569, %lt3A_572 : i32
      %lt3A_574 = arith.constant 0 : i32
      %lt3A_575 = arith.cmpi slt, %select_n3A_568, %lt3A_574 : i32
      %ne3A_576 = arith.xori %lt3A_573, %lt3A_575 : i1
      %and3A_577 = arith.andi %ne3A_576, %ne3A_571 : i1
      %add3A_578 = arith.addi %rem3A_569, %select_n3A_568 : i32
      %select_n3A_579 = arith.select %and3A_577, %add3A_578, %rem3A_569 : i32
      %eq3A_580 = arith.constant 1 : i32
      %eq3A_581 = arith.cmpi eq, %select_n3A_579, %eq3A_580 : i32
      %convert_element_type3A_582 = arith.extui %eq3A_581 : i1 to i32
      %cond3A_583 = arith.constant 0 : i32
      %cond3A_584 = arith.cmpi ne, %convert_element_type3A_582, %cond3A_583 : i32
      scf.if %cond3A_584 {
        %dma_wait3A_606 = arith.constant 1 : i32
        %dma_wait3A_607 = arith.constant 0 : i32
        %dma_wait3A_608 = arith.constant 0 : i32
        %dma_wait3A_609 = tpu.memref_slice %arg5[%dma_wait3A_606, %dma_wait3A_607, %dma_wait3A_608] : memref<3x2x128xi32, #tpu.memory_space<vmem>> -> memref<1x2x128xi32, #tpu.memory_space<vmem>>
        %dma_wait3A_610 = tpu.memref_squeeze %dma_wait3A_609 : memref<1x2x128xi32, #tpu.memory_space<vmem>> -> memref<2x128xi32, #tpu.memory_space<vmem>>
        %dma_wait3A_611 = arith.constant 0 : i32
        %dma_wait3A_612 = tpu.memref_slice %arg2[%mul3A_2, %dma_wait3A_611] : memref<25600x128xi32, #tpu.memory_space<hbm>> -> memref<2x128xi32, #tpu.memory_space<hbm>>
        %dma_wait3A_613 = arith.constant 0 : i32
        %dma_wait3A_614 = arith.constant 0 : i32
        %dma_wait3A_615 = tpu.memref_slice %arg5[%dma_wait3A_606, %dma_wait3A_613, %dma_wait3A_614] : memref<3x2x128xi32, #tpu.memory_space<vmem>> -> memref<1x2x128xi32, #tpu.memory_space<vmem>>
        %dma_wait3A_616 = tpu.memref_squeeze %dma_wait3A_615 : memref<1x2x128xi32, #tpu.memory_space<vmem>> -> memref<2x128xi32, #tpu.memory_space<vmem>>
        %dma_wait3A_617 = arith.constant 0 : i32
        %dma_wait3A_618 = tpu.memref_slice %arg2[%mul3A_2, %dma_wait3A_617] : memref<25600x128xi32, #tpu.memory_space<hbm>> -> memref<2x128xi32, #tpu.memory_space<hbm>>
        tpu.wait_dma2 semaphore(%arg8 : memref<!tpu.dma_semaphore, #tpu.memory_space<semaphore_mem>>) src(%dma_wait3A_618 : memref<2x128xi32, #tpu.memory_space<hbm>>) dst(%dma_wait3A_616 : memref<2x128xi32, #tpu.memory_space<vmem>>)
        %dma_wait3A_619 = arith.constant 1 : i32
        %dma_wait3A_620 = arith.constant 0 : i32
        %dma_wait3A_621 = arith.constant 0 : i32
        %dma_wait3A_622 = tpu.memref_slice %arg6[%dma_wait3A_619, %dma_wait3A_620, %dma_wait3A_621] : memref<3x256x128xf32, #tpu.memory_space<vmem>> -> memref<1x256x128xf32, #tpu.memory_space<vmem>>
        %dma_wait3A_623 = tpu.memref_squeeze %dma_wait3A_622 : memref<1x256x128xf32, #tpu.memory_space<vmem>> -> memref<256x128xf32, #tpu.memory_space<vmem>>
        %dma_wait3A_624 = arith.constant 0 : i32
        %dma_wait3A_625 = tpu.memref_slice %arg4[%mul3A_4, %dma_wait3A_624] : memref<3276800x128xf32, #tpu.memory_space<hbm>> -> memref<256x128xf32, #tpu.memory_space<hbm>>
        %dma_wait3A_626 = arith.constant 0 : i32
        %dma_wait3A_627 = tpu.memref_slice %arg4[%mul3A_4, %dma_wait3A_626] : memref<3276800x128xf32, #tpu.memory_space<hbm>> -> memref<256x128xf32, #tpu.memory_space<hbm>>
        %dma_wait3A_628 = arith.constant 0 : i32
        %dma_wait3A_629 = arith.constant 0 : i32
        %dma_wait3A_630 = tpu.memref_slice %arg6[%dma_wait3A_619, %dma_wait3A_628, %dma_wait3A_629] : memref<3x256x128xf32, #tpu.memory_space<vmem>> -> memref<1x256x128xf32, #tpu.memory_space<vmem>>
        %dma_wait3A_631 = tpu.memref_squeeze %dma_wait3A_630 : memref<1x256x128xf32, #tpu.memory_space<vmem>> -> memref<256x128xf32, #tpu.memory_space<vmem>>
        tpu.wait_dma2 semaphore(%arg14 : memref<!tpu.dma_semaphore, #tpu.memory_space<semaphore_mem>>) src(%dma_wait3A_631 : memref<256x128xf32, #tpu.memory_space<vmem>>) dst(%dma_wait3A_627 : memref<256x128xf32, #tpu.memory_space<hbm>>)
        %dma_start3A_632 = arith.constant 1 : i32
        %dma_start3A_633 = arith.constant 0 : i32
        %dma_start3A_634 = arith.constant 1 : i32
        %dma_start3A_635 = arith.constant 0 : i32
        %dma_start3A_636 = arith.constant 0 : i32
        %dma_start3A_637 = tpu.memref_slice %arg6[%dma_start3A_634, %dma_start3A_635, %dma_start3A_636] : memref<3x256x128xf32, #tpu.memory_space<vmem>> -> memref<1x128x128xf32, #tpu.memory_space<vmem>>
        %dma_start3A_638 = tpu.memref_squeeze %dma_start3A_637 : memref<1x128x128xf32, #tpu.memory_space<vmem>> -> memref<128x128xf32, #tpu.memory_space<vmem>>
        %dma_start3A_639 = arith.constant 0 : i32
        %dma_start3A_640 = tpu.memref_slice %arg5[%dma_start3A_632, %dma_start3A_633, %dma_start3A_639] : memref<3x2x128xi32, #tpu.memory_space<vmem>> -> memref<1x1x128xi32, #tpu.memory_space<vmem>>
        %dma_start3A_641 = tpu.memref_squeeze %dma_start3A_640 : memref<1x1x128xi32, #tpu.memory_space<vmem>> -> memref<128xi32, #tpu.memory_space<vmem>>
        %dma_start3A_642 = arith.constant 0 : i32
        %dma_start3A_643 = arith.constant 0 : i32
        %dma_start3A_644 = tpu.memref_slice %arg3[%dma_start3A_642, %dma_start3A_643] : memref<100000x128xf32, #tpu.memory_space<hbm>> -> memref<100000x128xf32, #tpu.memory_space<hbm>>
        tpu.enqueue_indirect_dma source(%dma_start3A_644 : memref<100000x128xf32, #tpu.memory_space<hbm>>) target(%dma_start3A_638 : memref<128x128xf32, #tpu.memory_space<vmem>>) offsets(%dma_start3A_641 : memref<128xi32, #tpu.memory_space<vmem>>) semaphore(%arg11 : memref<!tpu.dma_semaphore, #tpu.memory_space<semaphore_mem>>)
        %dma_start3A_645 = arith.constant 1 : i32
        %dma_start3A_646 = arith.constant 1 : i32
        %dma_start3A_647 = arith.constant 1 : i32
        %dma_start3A_648 = arith.constant 128 : i32
        %dma_start3A_649 = arith.constant 0 : i32
        %dma_start3A_650 = tpu.memref_slice %arg6[%dma_start3A_647, %dma_start3A_648, %dma_start3A_649] : memref<3x256x128xf32, #tpu.memory_space<vmem>> -> memref<1x128x128xf32, #tpu.memory_space<vmem>>
        %dma_start3A_651 = tpu.memref_squeeze %dma_start3A_650 : memref<1x128x128xf32, #tpu.memory_space<vmem>> -> memref<128x128xf32, #tpu.memory_space<vmem>>
        %dma_start3A_652 = arith.constant 0 : i32
        %dma_start3A_653 = tpu.memref_slice %arg5[%dma_start3A_645, %dma_start3A_646, %dma_start3A_652] : memref<3x2x128xi32, #tpu.memory_space<vmem>> -> memref<1x1x128xi32, #tpu.memory_space<vmem>>
        %dma_start3A_654 = tpu.memref_squeeze %dma_start3A_653 : memref<1x1x128xi32, #tpu.memory_space<vmem>> -> memref<128xi32, #tpu.memory_space<vmem>>
        %dma_start3A_655 = arith.constant 0 : i32
        %dma_start3A_656 = arith.constant 0 : i32
        %dma_start3A_657 = tpu.memref_slice %arg3[%dma_start3A_655, %dma_start3A_656] : memref<100000x128xf32, #tpu.memory_space<hbm>> -> memref<100000x128xf32, #tpu.memory_space<hbm>>
        tpu.enqueue_indirect_dma source(%dma_start3A_657 : memref<100000x128xf32, #tpu.memory_space<hbm>>) target(%dma_start3A_651 : memref<128x128xf32, #tpu.memory_space<vmem>>) offsets(%dma_start3A_654 : memref<128xi32, #tpu.memory_space<vmem>>) semaphore(%arg11 : memref<!tpu.dma_semaphore, #tpu.memory_space<semaphore_mem>>)
        %dma_wait3A_658 = arith.constant 0 : i32
        %dma_wait3A_659 = arith.constant 0 : i32
        %dma_wait3A_660 = arith.constant 0 : i32
        %dma_wait3A_661 = arith.constant 0 : i32
        %dma_wait3A_662 = arith.constant 0 : i32
        %dma_wait3A_663 = tpu.memref_slice %arg6[%dma_wait3A_660, %dma_wait3A_661, %dma_wait3A_662] : memref<3x256x128xf32, #tpu.memory_space<vmem>> -> memref<1x128x128xf32, #tpu.memory_space<vmem>>
        %dma_wait3A_664 = tpu.memref_squeeze %dma_wait3A_663 : memref<1x128x128xf32, #tpu.memory_space<vmem>> -> memref<128x128xf32, #tpu.memory_space<vmem>>
        %dma_wait3A_665 = arith.constant 0 : i32
        %dma_wait3A_666 = tpu.memref_slice %arg5[%dma_wait3A_658, %dma_wait3A_659, %dma_wait3A_665] : memref<3x2x128xi32, #tpu.memory_space<vmem>> -> memref<1x1x128xi32, #tpu.memory_space<vmem>>
        %dma_wait3A_667 = tpu.memref_squeeze %dma_wait3A_666 : memref<1x1x128xi32, #tpu.memory_space<vmem>> -> memref<128xi32, #tpu.memory_space<vmem>>
        %dma_wait3A_668 = arith.constant 0 : i32
        %dma_wait3A_669 = arith.constant 0 : i32
        %dma_wait3A_670 = tpu.memref_slice %arg3[%dma_wait3A_668, %dma_wait3A_669] : memref<100000x128xf32, #tpu.memory_space<hbm>> -> memref<100000x128xf32, #tpu.memory_space<hbm>>
        tpu.wait_indirect_dma semaphore(%arg10 : memref<!tpu.dma_semaphore, #tpu.memory_space<semaphore_mem>>) src(%dma_wait3A_670 : memref<100000x128xf32, #tpu.memory_space<hbm>>) dst(%dma_wait3A_664 : memref<128x128xf32, #tpu.memory_space<vmem>>)
        %dma_wait3A_671 = arith.constant 0 : i32
        %dma_wait3A_672 = arith.constant 1 : i32
        %dma_wait3A_673 = arith.constant 0 : i32
        %dma_wait3A_674 = arith.constant 128 : i32
        %dma_wait3A_675 = arith.constant 0 : i32
        %dma_wait3A_676 = tpu.memref_slice %arg6[%dma_wait3A_673, %dma_wait3A_674, %dma_wait3A_675] : memref<3x256x128xf32, #tpu.memory_space<vmem>> -> memref<1x128x128xf32, #tpu.memory_space<vmem>>
        %dma_wait3A_677 = tpu.memref_squeeze %dma_wait3A_676 : memref<1x128x128xf32, #tpu.memory_space<vmem>> -> memref<128x128xf32, #tpu.memory_space<vmem>>
        %dma_wait3A_678 = arith.constant 0 : i32
        %dma_wait3A_679 = tpu.memref_slice %arg5[%dma_wait3A_671, %dma_wait3A_672, %dma_wait3A_678] : memref<3x2x128xi32, #tpu.memory_space<vmem>> -> memref<1x1x128xi32, #tpu.memory_space<vmem>>
        %dma_wait3A_680 = tpu.memref_squeeze %dma_wait3A_679 : memref<1x1x128xi32, #tpu.memory_space<vmem>> -> memref<128xi32, #tpu.memory_space<vmem>>
        %dma_wait3A_681 = arith.constant 0 : i32
        %dma_wait3A_682 = arith.constant 0 : i32
        %dma_wait3A_683 = tpu.memref_slice %arg3[%dma_wait3A_681, %dma_wait3A_682] : memref<100000x128xf32, #tpu.memory_space<hbm>> -> memref<100000x128xf32, #tpu.memory_space<hbm>>
        tpu.wait_indirect_dma semaphore(%arg10 : memref<!tpu.dma_semaphore, #tpu.memory_space<semaphore_mem>>) src(%dma_wait3A_683 : memref<100000x128xf32, #tpu.memory_space<hbm>>) dst(%dma_wait3A_677 : memref<128x128xf32, #tpu.memory_space<vmem>>)
        %sub3A = arith.constant 1 : i32
        %sub3A_684 = arith.subi %add3A_551, %sub3A : i32
        %add3A_685 = arith.constant 3 : i32
        %add3A_686 = arith.addi %sub3A_684, %add3A_685 : i32
        %mul3A_687 = arith.constant 2 : i32
        %mul3A_688 = arith.muli %add3A_686, %mul3A_687 : i32
        %add3A_689 = arith.addi %mul3A_2, %mul3A_688 : i32
        %dma_start3A_690 = arith.constant 0 : i32
        %dma_start3A_691 = arith.constant 0 : i32
        %dma_start3A_692 = arith.constant 0 : i32
        %dma_start3A_693 = tpu.memref_slice %arg5[%dma_start3A_690, %dma_start3A_691, %dma_start3A_692] : memref<3x2x128xi32, #tpu.memory_space<vmem>> -> memref<1x2x128xi32, #tpu.memory_space<vmem>>
        %dma_start3A_694 = tpu.memref_squeeze %dma_start3A_693 : memref<1x2x128xi32, #tpu.memory_space<vmem>> -> memref<2x128xi32, #tpu.memory_space<vmem>>
        %dma_start3A_695 = arith.constant 0 : i32
        %dma_start3A_696 = tpu.memref_slice %arg2[%add3A_689, %dma_start3A_695] : memref<25600x128xi32, #tpu.memory_space<hbm>> -> memref<2x128xi32, #tpu.memory_space<hbm>>
        %dma_start3A_697 = arith.constant 0 : i32
        %dma_start3A_698 = arith.constant 0 : i32
        %dma_start3A_699 = tpu.memref_slice %arg5[%dma_start3A_690, %dma_start3A_697, %dma_start3A_698] : memref<3x2x128xi32, #tpu.memory_space<vmem>> -> memref<1x2x128xi32, #tpu.memory_space<vmem>>
        %dma_start3A_700 = tpu.memref_squeeze %dma_start3A_699 : memref<1x2x128xi32, #tpu.memory_space<vmem>> -> memref<2x128xi32, #tpu.memory_space<vmem>>
        %dma_start3A_701 = arith.constant 0 : i32
        %dma_start3A_702 = tpu.memref_slice %arg2[%add3A_689, %dma_start3A_701] : memref<25600x128xi32, #tpu.memory_space<hbm>> -> memref<2x128xi32, #tpu.memory_space<hbm>>
        tpu.enqueue_dma source(%dma_start3A_702 : memref<2x128xi32, #tpu.memory_space<hbm>>) target(%dma_start3A_700 : memref<2x128xi32, #tpu.memory_space<vmem>>) target_semaphore(%arg7 : memref<!tpu.dma_semaphore, #tpu.memory_space<semaphore_mem>>)
        %sub3A_703 = arith.constant 1 : i32
        %sub3A_704 = arith.subi %add3A_551, %sub3A_703 : i32
        %mul3A_705 = arith.constant 256 : i32
        %mul3A_706 = arith.muli %sub3A_704, %mul3A_705 : i32
        %add3A_707 = arith.addi %mul3A_4, %mul3A_706 : i32
        %dma_start3A_708 = arith.constant 0 : i32
        %dma_start3A_709 = arith.constant 0 : i32
        %dma_start3A_710 = arith.constant 0 : i32
        %dma_start3A_711 = tpu.memref_slice %arg6[%dma_start3A_708, %dma_start3A_709, %dma_start3A_710] : memref<3x256x128xf32, #tpu.memory_space<vmem>> -> memref<1x256x128xf32, #tpu.memory_space<vmem>>
        %dma_start3A_712 = tpu.memref_squeeze %dma_start3A_711 : memref<1x256x128xf32, #tpu.memory_space<vmem>> -> memref<256x128xf32, #tpu.memory_space<vmem>>
        %dma_start3A_713 = arith.constant 0 : i32
        %dma_start3A_714 = tpu.memref_slice %arg4[%add3A_707, %dma_start3A_713] : memref<3276800x128xf32, #tpu.memory_space<hbm>> -> memref<256x128xf32, #tpu.memory_space<hbm>>
        %dma_start3A_715 = arith.constant 0 : i32
        %dma_start3A_716 = tpu.memref_slice %arg4[%add3A_707, %dma_start3A_715] : memref<3276800x128xf32, #tpu.memory_space<hbm>> -> memref<256x128xf32, #tpu.memory_space<hbm>>
        %dma_start3A_717 = arith.constant 0 : i32
        %dma_start3A_718 = arith.constant 0 : i32
        %dma_start3A_719 = tpu.memref_slice %arg6[%dma_start3A_708, %dma_start3A_717, %dma_start3A_718] : memref<3x256x128xf32, #tpu.memory_space<vmem>> -> memref<1x256x128xf32, #tpu.memory_space<vmem>>
        %dma_start3A_720 = tpu.memref_squeeze %dma_start3A_719 : memref<1x256x128xf32, #tpu.memory_space<vmem>> -> memref<256x128xf32, #tpu.memory_space<vmem>>
        tpu.enqueue_dma source(%dma_start3A_720 : memref<256x128xf32, #tpu.memory_space<vmem>>) target(%dma_start3A_716 : memref<256x128xf32, #tpu.memory_space<hbm>>) target_semaphore(%arg13 : memref<!tpu.dma_semaphore, #tpu.memory_space<semaphore_mem>>)
      } else {
      }
      %jit3A_585 = arith.constant 3 : i32
      %eq3A_586 = arith.constant 0 : i32
      %eq3A_587 = arith.cmpi eq, %jit3A_585, %eq3A_586 : i32
      %jit3A_588 = arith.constant 1 : i32
      %select_n3A_589 = arith.select %eq3A_587, %jit3A_588, %jit3A_585 : i32
      %rem3A_590 = arith.remsi %add3A_551, %select_n3A_589 : i32
      %ne3A_591 = arith.constant 0 : i32
      %ne3A_592 = arith.cmpi ne, %rem3A_590, %ne3A_591 : i32
      %lt3A_593 = arith.constant 0 : i32
      %lt3A_594 = arith.cmpi slt, %rem3A_590, %lt3A_593 : i32
      %lt3A_595 = arith.constant 0 : i32
      %lt3A_596 = arith.cmpi slt, %select_n3A_589, %lt3A_595 : i32
      %ne3A_597 = arith.xori %lt3A_594, %lt3A_596 : i1
      %and3A_598 = arith.andi %ne3A_597, %ne3A_592 : i1
      %add3A_599 = arith.addi %rem3A_590, %select_n3A_589 : i32
      %select_n3A_600 = arith.select %and3A_598, %add3A_599, %rem3A_590 : i32
      %eq3A_601 = arith.constant 2 : i32
      %eq3A_602 = arith.cmpi eq, %select_n3A_600, %eq3A_601 : i32
      %convert_element_type3A_603 = arith.extui %eq3A_602 : i1 to i32
      %cond3A_604 = arith.constant 0 : i32
      %cond3A_605 = arith.cmpi ne, %convert_element_type3A_603, %cond3A_604 : i32
      scf.if %cond3A_605 {
        %dma_wait3A_606 = arith.constant 2 : i32
        %dma_wait3A_607 = arith.constant 0 : i32
        %dma_wait3A_608 = arith.constant 0 : i32
        %dma_wait3A_609 = tpu.memref_slice %arg5[%dma_wait3A_606, %dma_wait3A_607, %dma_wait3A_608] : memref<3x2x128xi32, #tpu.memory_space<vmem>> -> memref<1x2x128xi32, #tpu.memory_space<vmem>>
        %dma_wait3A_610 = tpu.memref_squeeze %dma_wait3A_609 : memref<1x2x128xi32, #tpu.memory_space<vmem>> -> memref<2x128xi32, #tpu.memory_space<vmem>>
        %dma_wait3A_611 = arith.constant 0 : i32
        %dma_wait3A_612 = tpu.memref_slice %arg2[%mul3A_2, %dma_wait3A_611] : memref<25600x128xi32, #tpu.memory_space<hbm>> -> memref<2x128xi32, #tpu.memory_space<hbm>>
        %dma_wait3A_613 = arith.constant 0 : i32
        %dma_wait3A_614 = arith.constant 0 : i32
        %dma_wait3A_615 = tpu.memref_slice %arg5[%dma_wait3A_606, %dma_wait3A_613, %dma_wait3A_614] : memref<3x2x128xi32, #tpu.memory_space<vmem>> -> memref<1x2x128xi32, #tpu.memory_space<vmem>>
        %dma_wait3A_616 = tpu.memref_squeeze %dma_wait3A_615 : memref<1x2x128xi32, #tpu.memory_space<vmem>> -> memref<2x128xi32, #tpu.memory_space<vmem>>
        %dma_wait3A_617 = arith.constant 0 : i32
        %dma_wait3A_618 = tpu.memref_slice %arg2[%mul3A_2, %dma_wait3A_617] : memref<25600x128xi32, #tpu.memory_space<hbm>> -> memref<2x128xi32, #tpu.memory_space<hbm>>
        tpu.wait_dma2 semaphore(%arg9 : memref<!tpu.dma_semaphore, #tpu.memory_space<semaphore_mem>>) src(%dma_wait3A_618 : memref<2x128xi32, #tpu.memory_space<hbm>>) dst(%dma_wait3A_616 : memref<2x128xi32, #tpu.memory_space<vmem>>)
        %dma_wait3A_619 = arith.constant 2 : i32
        %dma_wait3A_620 = arith.constant 0 : i32
        %dma_wait3A_621 = arith.constant 0 : i32
        %dma_wait3A_622 = tpu.memref_slice %arg6[%dma_wait3A_619, %dma_wait3A_620, %dma_wait3A_621] : memref<3x256x128xf32, #tpu.memory_space<vmem>> -> memref<1x256x128xf32, #tpu.memory_space<vmem>>
        %dma_wait3A_623 = tpu.memref_squeeze %dma_wait3A_622 : memref<1x256x128xf32, #tpu.memory_space<vmem>> -> memref<256x128xf32, #tpu.memory_space<vmem>>
        %dma_wait3A_624 = arith.constant 0 : i32
        %dma_wait3A_625 = tpu.memref_slice %arg4[%mul3A_4, %dma_wait3A_624] : memref<3276800x128xf32, #tpu.memory_space<hbm>> -> memref<256x128xf32, #tpu.memory_space<hbm>>
        %dma_wait3A_626 = arith.constant 0 : i32
        %dma_wait3A_627 = tpu.memref_slice %arg4[%mul3A_4, %dma_wait3A_626] : memref<3276800x128xf32, #tpu.memory_space<hbm>> -> memref<256x128xf32, #tpu.memory_space<hbm>>
        %dma_wait3A_628 = arith.constant 0 : i32
        %dma_wait3A_629 = arith.constant 0 : i32
        %dma_wait3A_630 = tpu.memref_slice %arg6[%dma_wait3A_619, %dma_wait3A_628, %dma_wait3A_629] : memref<3x256x128xf32, #tpu.memory_space<vmem>> -> memref<1x256x128xf32, #tpu.memory_space<vmem>>
        %dma_wait3A_631 = tpu.memref_squeeze %dma_wait3A_630 : memref<1x256x128xf32, #tpu.memory_space<vmem>> -> memref<256x128xf32, #tpu.memory_space<vmem>>
        tpu.wait_dma2 semaphore(%arg15 : memref<!tpu.dma_semaphore, #tpu.memory_space<semaphore_mem>>) src(%dma_wait3A_631 : memref<256x128xf32, #tpu.memory_space<vmem>>) dst(%dma_wait3A_627 : memref<256x128xf32, #tpu.memory_space<hbm>>)
        %dma_start3A_632 = arith.constant 2 : i32
        %dma_start3A_633 = arith.constant 0 : i32
        %dma_start3A_634 = arith.constant 2 : i32
        %dma_start3A_635 = arith.constant 0 : i32
        %dma_start3A_636 = arith.constant 0 : i32
        %dma_start3A_637 = tpu.memref_slice %arg6[%dma_start3A_634, %dma_start3A_635, %dma_start3A_636] : memref<3x256x128xf32, #tpu.memory_space<vmem>> -> memref<1x128x128xf32, #tpu.memory_space<vmem>>
        %dma_start3A_638 = tpu.memref_squeeze %dma_start3A_637 : memref<1x128x128xf32, #tpu.memory_space<vmem>> -> memref<128x128xf32, #tpu.memory_space<vmem>>
        %dma_start3A_639 = arith.constant 0 : i32
        %dma_start3A_640 = tpu.memref_slice %arg5[%dma_start3A_632, %dma_start3A_633, %dma_start3A_639] : memref<3x2x128xi32, #tpu.memory_space<vmem>> -> memref<1x1x128xi32, #tpu.memory_space<vmem>>
        %dma_start3A_641 = tpu.memref_squeeze %dma_start3A_640 : memref<1x1x128xi32, #tpu.memory_space<vmem>> -> memref<128xi32, #tpu.memory_space<vmem>>
        %dma_start3A_642 = arith.constant 0 : i32
        %dma_start3A_643 = arith.constant 0 : i32
        %dma_start3A_644 = tpu.memref_slice %arg3[%dma_start3A_642, %dma_start3A_643] : memref<100000x128xf32, #tpu.memory_space<hbm>> -> memref<100000x128xf32, #tpu.memory_space<hbm>>
        tpu.enqueue_indirect_dma source(%dma_start3A_644 : memref<100000x128xf32, #tpu.memory_space<hbm>>) target(%dma_start3A_638 : memref<128x128xf32, #tpu.memory_space<vmem>>) offsets(%dma_start3A_641 : memref<128xi32, #tpu.memory_space<vmem>>) semaphore(%arg12 : memref<!tpu.dma_semaphore, #tpu.memory_space<semaphore_mem>>)
        %dma_start3A_645 = arith.constant 2 : i32
        %dma_start3A_646 = arith.constant 1 : i32
        %dma_start3A_647 = arith.constant 2 : i32
        %dma_start3A_648 = arith.constant 128 : i32
        %dma_start3A_649 = arith.constant 0 : i32
        %dma_start3A_650 = tpu.memref_slice %arg6[%dma_start3A_647, %dma_start3A_648, %dma_start3A_649] : memref<3x256x128xf32, #tpu.memory_space<vmem>> -> memref<1x128x128xf32, #tpu.memory_space<vmem>>
        %dma_start3A_651 = tpu.memref_squeeze %dma_start3A_650 : memref<1x128x128xf32, #tpu.memory_space<vmem>> -> memref<128x128xf32, #tpu.memory_space<vmem>>
        %dma_start3A_652 = arith.constant 0 : i32
        %dma_start3A_653 = tpu.memref_slice %arg5[%dma_start3A_645, %dma_start3A_646, %dma_start3A_652] : memref<3x2x128xi32, #tpu.memory_space<vmem>> -> memref<1x1x128xi32, #tpu.memory_space<vmem>>
        %dma_start3A_654 = tpu.memref_squeeze %dma_start3A_653 : memref<1x1x128xi32, #tpu.memory_space<vmem>> -> memref<128xi32, #tpu.memory_space<vmem>>
        %dma_start3A_655 = arith.constant 0 : i32
        %dma_start3A_656 = arith.constant 0 : i32
        %dma_start3A_657 = tpu.memref_slice %arg3[%dma_start3A_655, %dma_start3A_656] : memref<100000x128xf32, #tpu.memory_space<hbm>> -> memref<100000x128xf32, #tpu.memory_space<hbm>>
        tpu.enqueue_indirect_dma source(%dma_start3A_657 : memref<100000x128xf32, #tpu.memory_space<hbm>>) target(%dma_start3A_651 : memref<128x128xf32, #tpu.memory_space<vmem>>) offsets(%dma_start3A_654 : memref<128xi32, #tpu.memory_space<vmem>>) semaphore(%arg12 : memref<!tpu.dma_semaphore, #tpu.memory_space<semaphore_mem>>)
        %dma_wait3A_658 = arith.constant 1 : i32
        %dma_wait3A_659 = arith.constant 0 : i32
        %dma_wait3A_660 = arith.constant 1 : i32
        %dma_wait3A_661 = arith.constant 0 : i32
        %dma_wait3A_662 = arith.constant 0 : i32
        %dma_wait3A_663 = tpu.memref_slice %arg6[%dma_wait3A_660, %dma_wait3A_661, %dma_wait3A_662] : memref<3x256x128xf32, #tpu.memory_space<vmem>> -> memref<1x128x128xf32, #tpu.memory_space<vmem>>
        %dma_wait3A_664 = tpu.memref_squeeze %dma_wait3A_663 : memref<1x128x128xf32, #tpu.memory_space<vmem>> -> memref<128x128xf32, #tpu.memory_space<vmem>>
        %dma_wait3A_665 = arith.constant 0 : i32
        %dma_wait3A_666 = tpu.memref_slice %arg5[%dma_wait3A_658, %dma_wait3A_659, %dma_wait3A_665] : memref<3x2x128xi32, #tpu.memory_space<vmem>> -> memref<1x1x128xi32, #tpu.memory_space<vmem>>
        %dma_wait3A_667 = tpu.memref_squeeze %dma_wait3A_666 : memref<1x1x128xi32, #tpu.memory_space<vmem>> -> memref<128xi32, #tpu.memory_space<vmem>>
        %dma_wait3A_668 = arith.constant 0 : i32
        %dma_wait3A_669 = arith.constant 0 : i32
        %dma_wait3A_670 = tpu.memref_slice %arg3[%dma_wait3A_668, %dma_wait3A_669] : memref<100000x128xf32, #tpu.memory_space<hbm>> -> memref<100000x128xf32, #tpu.memory_space<hbm>>
        tpu.wait_indirect_dma semaphore(%arg11 : memref<!tpu.dma_semaphore, #tpu.memory_space<semaphore_mem>>) src(%dma_wait3A_670 : memref<100000x128xf32, #tpu.memory_space<hbm>>) dst(%dma_wait3A_664 : memref<128x128xf32, #tpu.memory_space<vmem>>)
        %dma_wait3A_671 = arith.constant 1 : i32
        %dma_wait3A_672 = arith.constant 1 : i32
        %dma_wait3A_673 = arith.constant 1 : i32
        %dma_wait3A_674 = arith.constant 128 : i32
        %dma_wait3A_675 = arith.constant 0 : i32
        %dma_wait3A_676 = tpu.memref_slice %arg6[%dma_wait3A_673, %dma_wait3A_674, %dma_wait3A_675] : memref<3x256x128xf32, #tpu.memory_space<vmem>> -> memref<1x128x128xf32, #tpu.memory_space<vmem>>
        %dma_wait3A_677 = tpu.memref_squeeze %dma_wait3A_676 : memref<1x128x128xf32, #tpu.memory_space<vmem>> -> memref<128x128xf32, #tpu.memory_space<vmem>>
        %dma_wait3A_678 = arith.constant 0 : i32
        %dma_wait3A_679 = tpu.memref_slice %arg5[%dma_wait3A_671, %dma_wait3A_672, %dma_wait3A_678] : memref<3x2x128xi32, #tpu.memory_space<vmem>> -> memref<1x1x128xi32, #tpu.memory_space<vmem>>
        %dma_wait3A_680 = tpu.memref_squeeze %dma_wait3A_679 : memref<1x1x128xi32, #tpu.memory_space<vmem>> -> memref<128xi32, #tpu.memory_space<vmem>>
        %dma_wait3A_681 = arith.constant 0 : i32
        %dma_wait3A_682 = arith.constant 0 : i32
        %dma_wait3A_683 = tpu.memref_slice %arg3[%dma_wait3A_681, %dma_wait3A_682] : memref<100000x128xf32, #tpu.memory_space<hbm>> -> memref<100000x128xf32, #tpu.memory_space<hbm>>
        tpu.wait_indirect_dma semaphore(%arg11 : memref<!tpu.dma_semaphore, #tpu.memory_space<semaphore_mem>>) src(%dma_wait3A_683 : memref<100000x128xf32, #tpu.memory_space<hbm>>) dst(%dma_wait3A_677 : memref<128x128xf32, #tpu.memory_space<vmem>>)
        %sub3A = arith.constant 1 : i32
        %sub3A_684 = arith.subi %add3A_551, %sub3A : i32
        %add3A_685 = arith.constant 3 : i32
        %add3A_686 = arith.addi %sub3A_684, %add3A_685 : i32
        %mul3A_687 = arith.constant 2 : i32
        %mul3A_688 = arith.muli %add3A_686, %mul3A_687 : i32
        %add3A_689 = arith.addi %mul3A_2, %mul3A_688 : i32
        %dma_start3A_690 = arith.constant 1 : i32
        %dma_start3A_691 = arith.constant 0 : i32
        %dma_start3A_692 = arith.constant 0 : i32
        %dma_start3A_693 = tpu.memref_slice %arg5[%dma_start3A_690, %dma_start3A_691, %dma_start3A_692] : memref<3x2x128xi32, #tpu.memory_space<vmem>> -> memref<1x2x128xi32, #tpu.memory_space<vmem>>
        %dma_start3A_694 = tpu.memref_squeeze %dma_start3A_693 : memref<1x2x128xi32, #tpu.memory_space<vmem>> -> memref<2x128xi32, #tpu.memory_space<vmem>>
        %dma_start3A_695 = arith.constant 0 : i32
        %dma_start3A_696 = tpu.memref_slice %arg2[%add3A_689, %dma_start3A_695] : memref<25600x128xi32, #tpu.memory_space<hbm>> -> memref<2x128xi32, #tpu.memory_space<hbm>>
        %dma_start3A_697 = arith.constant 0 : i32
        %dma_start3A_698 = arith.constant 0 : i32
        %dma_start3A_699 = tpu.memref_slice %arg5[%dma_start3A_690, %dma_start3A_697, %dma_start3A_698] : memref<3x2x128xi32, #tpu.memory_space<vmem>> -> memref<1x2x128xi32, #tpu.memory_space<vmem>>
        %dma_start3A_700 = tpu.memref_squeeze %dma_start3A_699 : memref<1x2x128xi32, #tpu.memory_space<vmem>> -> memref<2x128xi32, #tpu.memory_space<vmem>>
        %dma_start3A_701 = arith.constant 0 : i32
        %dma_start3A_702 = tpu.memref_slice %arg2[%add3A_689, %dma_start3A_701] : memref<25600x128xi32, #tpu.memory_space<hbm>> -> memref<2x128xi32, #tpu.memory_space<hbm>>
        tpu.enqueue_dma source(%dma_start3A_702 : memref<2x128xi32, #tpu.memory_space<hbm>>) target(%dma_start3A_700 : memref<2x128xi32, #tpu.memory_space<vmem>>) target_semaphore(%arg8 : memref<!tpu.dma_semaphore, #tpu.memory_space<semaphore_mem>>)
        %sub3A_703 = arith.constant 1 : i32
        %sub3A_704 = arith.subi %add3A_551, %sub3A_703 : i32
        %mul3A_705 = arith.constant 256 : i32
        %mul3A_706 = arith.muli %sub3A_704, %mul3A_705 : i32
        %add3A_707 = arith.addi %mul3A_4, %mul3A_706 : i32
        %dma_start3A_708 = arith.constant 1 : i32
        %dma_start3A_709 = arith.constant 0 : i32
        %dma_start3A_710 = arith.constant 0 : i32
        %dma_start3A_711 = tpu.memref_slice %arg6[%dma_start3A_708, %dma_start3A_709, %dma_start3A_710] : memref<3x256x128xf32, #tpu.memory_space<vmem>> -> memref<1x256x128xf32, #tpu.memory_space<vmem>>
        %dma_start3A_712 = tpu.memref_squeeze %dma_start3A_711 : memref<1x256x128xf32, #tpu.memory_space<vmem>> -> memref<256x128xf32, #tpu.memory_space<vmem>>
        %dma_start3A_713 = arith.constant 0 : i32
        %dma_start3A_714 = tpu.memref_slice %arg4[%add3A_707, %dma_start3A_713] : memref<3276800x128xf32, #tpu.memory_space<hbm>> -> memref<256x128xf32, #tpu.memory_space<hbm>>
        %dma_start3A_715 = arith.constant 0 : i32
        %dma_start3A_716 = tpu.memref_slice %arg4[%add3A_707, %dma_start3A_715] : memref<3276800x128xf32, #tpu.memory_space<hbm>> -> memref<256x128xf32, #tpu.memory_space<hbm>>
        %dma_start3A_717 = arith.constant 0 : i32
        %dma_start3A_718 = arith.constant 0 : i32
        %dma_start3A_719 = tpu.memref_slice %arg6[%dma_start3A_708, %dma_start3A_717, %dma_start3A_718] : memref<3x256x128xf32, #tpu.memory_space<vmem>> -> memref<1x256x128xf32, #tpu.memory_space<vmem>>
        %dma_start3A_720 = tpu.memref_squeeze %dma_start3A_719 : memref<1x256x128xf32, #tpu.memory_space<vmem>> -> memref<256x128xf32, #tpu.memory_space<vmem>>
        tpu.enqueue_dma source(%dma_start3A_720 : memref<256x128xf32, #tpu.memory_space<vmem>>) target(%dma_start3A_716 : memref<256x128xf32, #tpu.memory_space<hbm>>) target_semaphore(%arg14 : memref<!tpu.dma_semaphore, #tpu.memory_space<semaphore_mem>>)
      } else {
      }
    }
    %scan3A_280 = arith.constant 395 : i32
    %dma_wait3A_281 = arith.constant 2 : i32
    %dma_wait3A_282 = arith.constant 0 : i32
    %dma_wait3A_283 = arith.constant 0 : i32
    %dma_wait3A_284 = tpu.memref_slice %arg5[%dma_wait3A_281, %dma_wait3A_282, %dma_wait3A_283] : memref<3x2x128xi32, #tpu.memory_space<vmem>> -> memref<1x2x128xi32, #tpu.memory_space<vmem>>
    %dma_wait3A_285 = tpu.memref_squeeze %dma_wait3A_284 : memref<1x2x128xi32, #tpu.memory_space<vmem>> -> memref<2x128xi32, #tpu.memory_space<vmem>>
    %dma_wait3A_286 = arith.constant 0 : i32
    %dma_wait3A_287 = tpu.memref_slice %arg2[%mul3A_2, %dma_wait3A_286] : memref<25600x128xi32, #tpu.memory_space<hbm>> -> memref<2x128xi32, #tpu.memory_space<hbm>>
    %dma_wait3A_288 = arith.constant 0 : i32
    %dma_wait3A_289 = arith.constant 0 : i32
    %dma_wait3A_290 = tpu.memref_slice %arg5[%dma_wait3A_281, %dma_wait3A_288, %dma_wait3A_289] : memref<3x2x128xi32, #tpu.memory_space<vmem>> -> memref<1x2x128xi32, #tpu.memory_space<vmem>>
    %dma_wait3A_291 = tpu.memref_squeeze %dma_wait3A_290 : memref<1x2x128xi32, #tpu.memory_space<vmem>> -> memref<2x128xi32, #tpu.memory_space<vmem>>
    %dma_wait3A_292 = arith.constant 0 : i32
    %dma_wait3A_293 = tpu.memref_slice %arg2[%mul3A_2, %dma_wait3A_292] : memref<25600x128xi32, #tpu.memory_space<hbm>> -> memref<2x128xi32, #tpu.memory_space<hbm>>
    tpu.wait_dma2 semaphore(%arg9 : memref<!tpu.dma_semaphore, #tpu.memory_space<semaphore_mem>>) src(%dma_wait3A_293 : memref<2x128xi32, #tpu.memory_space<hbm>>) dst(%dma_wait3A_291 : memref<2x128xi32, #tpu.memory_space<vmem>>)
    %dma_wait3A_294 = arith.constant 2 : i32
    %dma_wait3A_295 = arith.constant 0 : i32
    %dma_wait3A_296 = arith.constant 0 : i32
    %dma_wait3A_297 = tpu.memref_slice %arg6[%dma_wait3A_294, %dma_wait3A_295, %dma_wait3A_296] : memref<3x256x128xf32, #tpu.memory_space<vmem>> -> memref<1x256x128xf32, #tpu.memory_space<vmem>>
    %dma_wait3A_298 = tpu.memref_squeeze %dma_wait3A_297 : memref<1x256x128xf32, #tpu.memory_space<vmem>> -> memref<256x128xf32, #tpu.memory_space<vmem>>
    %dma_wait3A_299 = arith.constant 0 : i32
    %dma_wait3A_300 = tpu.memref_slice %arg4[%mul3A_4, %dma_wait3A_299] : memref<3276800x128xf32, #tpu.memory_space<hbm>> -> memref<256x128xf32, #tpu.memory_space<hbm>>
    %dma_wait3A_301 = arith.constant 0 : i32
    %dma_wait3A_302 = tpu.memref_slice %arg4[%mul3A_4, %dma_wait3A_301] : memref<3276800x128xf32, #tpu.memory_space<hbm>> -> memref<256x128xf32, #tpu.memory_space<hbm>>
    %dma_wait3A_303 = arith.constant 0 : i32
    %dma_wait3A_304 = arith.constant 0 : i32
    %dma_wait3A_305 = tpu.memref_slice %arg6[%dma_wait3A_294, %dma_wait3A_303, %dma_wait3A_304] : memref<3x256x128xf32, #tpu.memory_space<vmem>> -> memref<1x256x128xf32, #tpu.memory_space<vmem>>
    %dma_wait3A_306 = tpu.memref_squeeze %dma_wait3A_305 : memref<1x256x128xf32, #tpu.memory_space<vmem>> -> memref<256x128xf32, #tpu.memory_space<vmem>>
    tpu.wait_dma2 semaphore(%arg15 : memref<!tpu.dma_semaphore, #tpu.memory_space<semaphore_mem>>) src(%dma_wait3A_306 : memref<256x128xf32, #tpu.memory_space<vmem>>) dst(%dma_wait3A_302 : memref<256x128xf32, #tpu.memory_space<hbm>>)
    %dma_start3A_307 = arith.constant 2 : i32
    %dma_start3A_308 = arith.constant 0 : i32
    %dma_start3A_309 = arith.constant 2 : i32
    %dma_start3A_310 = arith.constant 0 : i32
    %dma_start3A_311 = arith.constant 0 : i32
    %dma_start3A_312 = tpu.memref_slice %arg6[%dma_start3A_309, %dma_start3A_310, %dma_start3A_311] : memref<3x256x128xf32, #tpu.memory_space<vmem>> -> memref<1x128x128xf32, #tpu.memory_space<vmem>>
    %dma_start3A_313 = tpu.memref_squeeze %dma_start3A_312 : memref<1x128x128xf32, #tpu.memory_space<vmem>> -> memref<128x128xf32, #tpu.memory_space<vmem>>
    %dma_start3A_314 = arith.constant 0 : i32
    %dma_start3A_315 = tpu.memref_slice %arg5[%dma_start3A_307, %dma_start3A_308, %dma_start3A_314] : memref<3x2x128xi32, #tpu.memory_space<vmem>> -> memref<1x1x128xi32, #tpu.memory_space<vmem>>
    %dma_start3A_316 = tpu.memref_squeeze %dma_start3A_315 : memref<1x1x128xi32, #tpu.memory_space<vmem>> -> memref<128xi32, #tpu.memory_space<vmem>>
    %dma_start3A_317 = arith.constant 0 : i32
    %dma_start3A_318 = arith.constant 0 : i32
    %dma_start3A_319 = tpu.memref_slice %arg3[%dma_start3A_317, %dma_start3A_318] : memref<100000x128xf32, #tpu.memory_space<hbm>> -> memref<100000x128xf32, #tpu.memory_space<hbm>>
    tpu.enqueue_indirect_dma source(%dma_start3A_319 : memref<100000x128xf32, #tpu.memory_space<hbm>>) target(%dma_start3A_313 : memref<128x128xf32, #tpu.memory_space<vmem>>) offsets(%dma_start3A_316 : memref<128xi32, #tpu.memory_space<vmem>>) semaphore(%arg12 : memref<!tpu.dma_semaphore, #tpu.memory_space<semaphore_mem>>)
    %dma_start3A_320 = arith.constant 2 : i32
    %dma_start3A_321 = arith.constant 1 : i32
    %dma_start3A_322 = arith.constant 2 : i32
    %dma_start3A_323 = arith.constant 128 : i32
    %dma_start3A_324 = arith.constant 0 : i32
    %dma_start3A_325 = tpu.memref_slice %arg6[%dma_start3A_322, %dma_start3A_323, %dma_start3A_324] : memref<3x256x128xf32, #tpu.memory_space<vmem>> -> memref<1x128x128xf32, #tpu.memory_space<vmem>>
    %dma_start3A_326 = tpu.memref_squeeze %dma_start3A_325 : memref<1x128x128xf32, #tpu.memory_space<vmem>> -> memref<128x128xf32, #tpu.memory_space<vmem>>
    %dma_start3A_327 = arith.constant 0 : i32
    %dma_start3A_328 = tpu.memref_slice %arg5[%dma_start3A_320, %dma_start3A_321, %dma_start3A_327] : memref<3x2x128xi32, #tpu.memory_space<vmem>> -> memref<1x1x128xi32, #tpu.memory_space<vmem>>
    %dma_start3A_329 = tpu.memref_squeeze %dma_start3A_328 : memref<1x1x128xi32, #tpu.memory_space<vmem>> -> memref<128xi32, #tpu.memory_space<vmem>>
    %dma_start3A_330 = arith.constant 0 : i32
    %dma_start3A_331 = arith.constant 0 : i32
    %dma_start3A_332 = tpu.memref_slice %arg3[%dma_start3A_330, %dma_start3A_331] : memref<100000x128xf32, #tpu.memory_space<hbm>> -> memref<100000x128xf32, #tpu.memory_space<hbm>>
    tpu.enqueue_indirect_dma source(%dma_start3A_332 : memref<100000x128xf32, #tpu.memory_space<hbm>>) target(%dma_start3A_326 : memref<128x128xf32, #tpu.memory_space<vmem>>) offsets(%dma_start3A_329 : memref<128xi32, #tpu.memory_space<vmem>>) semaphore(%arg12 : memref<!tpu.dma_semaphore, #tpu.memory_space<semaphore_mem>>)
    %dma_wait3A_333 = arith.constant 1 : i32
    %dma_wait3A_334 = arith.constant 0 : i32
    %dma_wait3A_335 = arith.constant 1 : i32
    %dma_wait3A_336 = arith.constant 0 : i32
    %dma_wait3A_337 = arith.constant 0 : i32
    %dma_wait3A_338 = tpu.memref_slice %arg6[%dma_wait3A_335, %dma_wait3A_336, %dma_wait3A_337] : memref<3x256x128xf32, #tpu.memory_space<vmem>> -> memref<1x128x128xf32, #tpu.memory_space<vmem>>
    %dma_wait3A_339 = tpu.memref_squeeze %dma_wait3A_338 : memref<1x128x128xf32, #tpu.memory_space<vmem>> -> memref<128x128xf32, #tpu.memory_space<vmem>>
    %dma_wait3A_340 = arith.constant 0 : i32
    %dma_wait3A_341 = tpu.memref_slice %arg5[%dma_wait3A_333, %dma_wait3A_334, %dma_wait3A_340] : memref<3x2x128xi32, #tpu.memory_space<vmem>> -> memref<1x1x128xi32, #tpu.memory_space<vmem>>
    %dma_wait3A_342 = tpu.memref_squeeze %dma_wait3A_341 : memref<1x1x128xi32, #tpu.memory_space<vmem>> -> memref<128xi32, #tpu.memory_space<vmem>>
    %dma_wait3A_343 = arith.constant 0 : i32
    %dma_wait3A_344 = arith.constant 0 : i32
    %dma_wait3A_345 = tpu.memref_slice %arg3[%dma_wait3A_343, %dma_wait3A_344] : memref<100000x128xf32, #tpu.memory_space<hbm>> -> memref<100000x128xf32, #tpu.memory_space<hbm>>
    tpu.wait_indirect_dma semaphore(%arg11 : memref<!tpu.dma_semaphore, #tpu.memory_space<semaphore_mem>>) src(%dma_wait3A_345 : memref<100000x128xf32, #tpu.memory_space<hbm>>) dst(%dma_wait3A_339 : memref<128x128xf32, #tpu.memory_space<vmem>>)
    %dma_wait3A_346 = arith.constant 1 : i32
    %dma_wait3A_347 = arith.constant 1 : i32
    %dma_wait3A_348 = arith.constant 1 : i32
    %dma_wait3A_349 = arith.constant 128 : i32
    %dma_wait3A_350 = arith.constant 0 : i32
    %dma_wait3A_351 = tpu.memref_slice %arg6[%dma_wait3A_348, %dma_wait3A_349, %dma_wait3A_350] : memref<3x256x128xf32, #tpu.memory_space<vmem>> -> memref<1x128x128xf32, #tpu.memory_space<vmem>>
    %dma_wait3A_352 = tpu.memref_squeeze %dma_wait3A_351 : memref<1x128x128xf32, #tpu.memory_space<vmem>> -> memref<128x128xf32, #tpu.memory_space<vmem>>
    %dma_wait3A_353 = arith.constant 0 : i32
    %dma_wait3A_354 = tpu.memref_slice %arg5[%dma_wait3A_346, %dma_wait3A_347, %dma_wait3A_353] : memref<3x2x128xi32, #tpu.memory_space<vmem>> -> memref<1x1x128xi32, #tpu.memory_space<vmem>>
    %dma_wait3A_355 = tpu.memref_squeeze %dma_wait3A_354 : memref<1x1x128xi32, #tpu.memory_space<vmem>> -> memref<128xi32, #tpu.memory_space<vmem>>
    %dma_wait3A_356 = arith.constant 0 : i32
    %dma_wait3A_357 = arith.constant 0 : i32
    %dma_wait3A_358 = tpu.memref_slice %arg3[%dma_wait3A_356, %dma_wait3A_357] : memref<100000x128xf32, #tpu.memory_space<hbm>> -> memref<100000x128xf32, #tpu.memory_space<hbm>>
    tpu.wait_indirect_dma semaphore(%arg11 : memref<!tpu.dma_semaphore, #tpu.memory_space<semaphore_mem>>) src(%dma_wait3A_358 : memref<100000x128xf32, #tpu.memory_space<hbm>>) dst(%dma_wait3A_352 : memref<128x128xf32, #tpu.memory_space<vmem>>)
    %add3A_359 = arith.constant 101632 : i32
    %add3A_360 = arith.addi %mul3A_4, %add3A_359 : i32
    %dma_start3A_361 = arith.constant 1 : i32
    %dma_start3A_362 = arith.constant 0 : i32
    %dma_start3A_363 = arith.constant 0 : i32
    %dma_start3A_364 = tpu.memref_slice %arg6[%dma_start3A_361, %dma_start3A_362, %dma_start3A_363] : memref<3x256x128xf32, #tpu.memory_space<vmem>> -> memref<1x256x128xf32, #tpu.memory_space<vmem>>
    %dma_start3A_365 = tpu.memref_squeeze %dma_start3A_364 : memref<1x256x128xf32, #tpu.memory_space<vmem>> -> memref<256x128xf32, #tpu.memory_space<vmem>>
    %dma_start3A_366 = arith.constant 0 : i32
    %dma_start3A_367 = tpu.memref_slice %arg4[%add3A_360, %dma_start3A_366] : memref<3276800x128xf32, #tpu.memory_space<hbm>> -> memref<256x128xf32, #tpu.memory_space<hbm>>
    %dma_start3A_368 = arith.constant 0 : i32
    %dma_start3A_369 = tpu.memref_slice %arg4[%add3A_360, %dma_start3A_368] : memref<3276800x128xf32, #tpu.memory_space<hbm>> -> memref<256x128xf32, #tpu.memory_space<hbm>>
    %dma_start3A_370 = arith.constant 0 : i32
    %dma_start3A_371 = arith.constant 0 : i32
    %dma_start3A_372 = tpu.memref_slice %arg6[%dma_start3A_361, %dma_start3A_370, %dma_start3A_371] : memref<3x256x128xf32, #tpu.memory_space<vmem>> -> memref<1x256x128xf32, #tpu.memory_space<vmem>>
    %dma_start3A_373 = tpu.memref_squeeze %dma_start3A_372 : memref<1x256x128xf32, #tpu.memory_space<vmem>> -> memref<256x128xf32, #tpu.memory_space<vmem>>
    tpu.enqueue_dma source(%dma_start3A_373 : memref<256x128xf32, #tpu.memory_space<vmem>>) target(%dma_start3A_369 : memref<256x128xf32, #tpu.memory_space<hbm>>) target_semaphore(%arg14 : memref<!tpu.dma_semaphore, #tpu.memory_space<semaphore_mem>>)
    %dma_wait3A_374 = arith.constant 0 : i32
    %dma_wait3A_375 = arith.constant 0 : i32
    %dma_wait3A_376 = arith.constant 0 : i32
    %dma_wait3A_377 = tpu.memref_slice %arg5[%dma_wait3A_374, %dma_wait3A_375, %dma_wait3A_376] : memref<3x2x128xi32, #tpu.memory_space<vmem>> -> memref<1x2x128xi32, #tpu.memory_space<vmem>>
    %dma_wait3A_378 = tpu.memref_squeeze %dma_wait3A_377 : memref<1x2x128xi32, #tpu.memory_space<vmem>> -> memref<2x128xi32, #tpu.memory_space<vmem>>
    %dma_wait3A_379 = arith.constant 0 : i32
    %dma_wait3A_380 = tpu.memref_slice %arg2[%mul3A_2, %dma_wait3A_379] : memref<25600x128xi32, #tpu.memory_space<hbm>> -> memref<2x128xi32, #tpu.memory_space<hbm>>
    %dma_wait3A_381 = arith.constant 0 : i32
    %dma_wait3A_382 = arith.constant 0 : i32
    %dma_wait3A_383 = tpu.memref_slice %arg5[%dma_wait3A_374, %dma_wait3A_381, %dma_wait3A_382] : memref<3x2x128xi32, #tpu.memory_space<vmem>> -> memref<1x2x128xi32, #tpu.memory_space<vmem>>
    %dma_wait3A_384 = tpu.memref_squeeze %dma_wait3A_383 : memref<1x2x128xi32, #tpu.memory_space<vmem>> -> memref<2x128xi32, #tpu.memory_space<vmem>>
    %dma_wait3A_385 = arith.constant 0 : i32
    %dma_wait3A_386 = tpu.memref_slice %arg2[%mul3A_2, %dma_wait3A_385] : memref<25600x128xi32, #tpu.memory_space<hbm>> -> memref<2x128xi32, #tpu.memory_space<hbm>>
    tpu.wait_dma2 semaphore(%arg7 : memref<!tpu.dma_semaphore, #tpu.memory_space<semaphore_mem>>) src(%dma_wait3A_386 : memref<2x128xi32, #tpu.memory_space<hbm>>) dst(%dma_wait3A_384 : memref<2x128xi32, #tpu.memory_space<vmem>>)
    %dma_wait3A_387 = arith.constant 0 : i32
    %dma_wait3A_388 = arith.constant 0 : i32
    %dma_wait3A_389 = arith.constant 0 : i32
    %dma_wait3A_390 = tpu.memref_slice %arg6[%dma_wait3A_387, %dma_wait3A_388, %dma_wait3A_389] : memref<3x256x128xf32, #tpu.memory_space<vmem>> -> memref<1x256x128xf32, #tpu.memory_space<vmem>>
    %dma_wait3A_391 = tpu.memref_squeeze %dma_wait3A_390 : memref<1x256x128xf32, #tpu.memory_space<vmem>> -> memref<256x128xf32, #tpu.memory_space<vmem>>
    %dma_wait3A_392 = arith.constant 0 : i32
    %dma_wait3A_393 = tpu.memref_slice %arg4[%mul3A_4, %dma_wait3A_392] : memref<3276800x128xf32, #tpu.memory_space<hbm>> -> memref<256x128xf32, #tpu.memory_space<hbm>>
    %dma_wait3A_394 = arith.constant 0 : i32
    %dma_wait3A_395 = tpu.memref_slice %arg4[%mul3A_4, %dma_wait3A_394] : memref<3276800x128xf32, #tpu.memory_space<hbm>> -> memref<256x128xf32, #tpu.memory_space<hbm>>
    %dma_wait3A_396 = arith.constant 0 : i32
    %dma_wait3A_397 = arith.constant 0 : i32
    %dma_wait3A_398 = tpu.memref_slice %arg6[%dma_wait3A_387, %dma_wait3A_396, %dma_wait3A_397] : memref<3x256x128xf32, #tpu.memory_space<vmem>> -> memref<1x256x128xf32, #tpu.memory_space<vmem>>
    %dma_wait3A_399 = tpu.memref_squeeze %dma_wait3A_398 : memref<1x256x128xf32, #tpu.memory_space<vmem>> -> memref<256x128xf32, #tpu.memory_space<vmem>>
    tpu.wait_dma2 semaphore(%arg13 : memref<!tpu.dma_semaphore, #tpu.memory_space<semaphore_mem>>) src(%dma_wait3A_399 : memref<256x128xf32, #tpu.memory_space<vmem>>) dst(%dma_wait3A_395 : memref<256x128xf32, #tpu.memory_space<hbm>>)
    %dma_start3A_400 = arith.constant 0 : i32
    %dma_start3A_401 = arith.constant 0 : i32
    %dma_start3A_402 = arith.constant 0 : i32
    %dma_start3A_403 = arith.constant 0 : i32
    %dma_start3A_404 = arith.constant 0 : i32
    %dma_start3A_405 = tpu.memref_slice %arg6[%dma_start3A_402, %dma_start3A_403, %dma_start3A_404] : memref<3x256x128xf32, #tpu.memory_space<vmem>> -> memref<1x128x128xf32, #tpu.memory_space<vmem>>
    %dma_start3A_406 = tpu.memref_squeeze %dma_start3A_405 : memref<1x128x128xf32, #tpu.memory_space<vmem>> -> memref<128x128xf32, #tpu.memory_space<vmem>>
    %dma_start3A_407 = arith.constant 0 : i32
    %dma_start3A_408 = tpu.memref_slice %arg5[%dma_start3A_400, %dma_start3A_401, %dma_start3A_407] : memref<3x2x128xi32, #tpu.memory_space<vmem>> -> memref<1x1x128xi32, #tpu.memory_space<vmem>>
    %dma_start3A_409 = tpu.memref_squeeze %dma_start3A_408 : memref<1x1x128xi32, #tpu.memory_space<vmem>> -> memref<128xi32, #tpu.memory_space<vmem>>
    %dma_start3A_410 = arith.constant 0 : i32
    %dma_start3A_411 = arith.constant 0 : i32
    %dma_start3A_412 = tpu.memref_slice %arg3[%dma_start3A_410, %dma_start3A_411] : memref<100000x128xf32, #tpu.memory_space<hbm>> -> memref<100000x128xf32, #tpu.memory_space<hbm>>
    tpu.enqueue_indirect_dma source(%dma_start3A_412 : memref<100000x128xf32, #tpu.memory_space<hbm>>) target(%dma_start3A_406 : memref<128x128xf32, #tpu.memory_space<vmem>>) offsets(%dma_start3A_409 : memref<128xi32, #tpu.memory_space<vmem>>) semaphore(%arg10 : memref<!tpu.dma_semaphore, #tpu.memory_space<semaphore_mem>>)
    %dma_start3A_413 = arith.constant 0 : i32
    %dma_start3A_414 = arith.constant 1 : i32
    %dma_start3A_415 = arith.constant 0 : i32
    %dma_start3A_416 = arith.constant 128 : i32
    %dma_start3A_417 = arith.constant 0 : i32
    %dma_start3A_418 = tpu.memref_slice %arg6[%dma_start3A_415, %dma_start3A_416, %dma_start3A_417] : memref<3x256x128xf32, #tpu.memory_space<vmem>> -> memref<1x128x128xf32, #tpu.memory_space<vmem>>
    %dma_start3A_419 = tpu.memref_squeeze %dma_start3A_418 : memref<1x128x128xf32, #tpu.memory_space<vmem>> -> memref<128x128xf32, #tpu.memory_space<vmem>>
    %dma_start3A_420 = arith.constant 0 : i32
    %dma_start3A_421 = tpu.memref_slice %arg5[%dma_start3A_413, %dma_start3A_414, %dma_start3A_420] : memref<3x2x128xi32, #tpu.memory_space<vmem>> -> memref<1x1x128xi32, #tpu.memory_space<vmem>>
    %dma_start3A_422 = tpu.memref_squeeze %dma_start3A_421 : memref<1x1x128xi32, #tpu.memory_space<vmem>> -> memref<128xi32, #tpu.memory_space<vmem>>
    %dma_start3A_423 = arith.constant 0 : i32
    %dma_start3A_424 = arith.constant 0 : i32
    %dma_start3A_425 = tpu.memref_slice %arg3[%dma_start3A_423, %dma_start3A_424] : memref<100000x128xf32, #tpu.memory_space<hbm>> -> memref<100000x128xf32, #tpu.memory_space<hbm>>
    tpu.enqueue_indirect_dma source(%dma_start3A_425 : memref<100000x128xf32, #tpu.memory_space<hbm>>) target(%dma_start3A_419 : memref<128x128xf32, #tpu.memory_space<vmem>>) offsets(%dma_start3A_422 : memref<128xi32, #tpu.memory_space<vmem>>) semaphore(%arg10 : memref<!tpu.dma_semaphore, #tpu.memory_space<semaphore_mem>>)
    %dma_wait3A_426 = arith.constant 2 : i32
    %dma_wait3A_427 = arith.constant 0 : i32
    %dma_wait3A_428 = arith.constant 2 : i32
    %dma_wait3A_429 = arith.constant 0 : i32
    %dma_wait3A_430 = arith.constant 0 : i32
    %dma_wait3A_431 = tpu.memref_slice %arg6[%dma_wait3A_428, %dma_wait3A_429, %dma_wait3A_430] : memref<3x256x128xf32, #tpu.memory_space<vmem>> -> memref<1x128x128xf32, #tpu.memory_space<vmem>>
    %dma_wait3A_432 = tpu.memref_squeeze %dma_wait3A_431 : memref<1x128x128xf32, #tpu.memory_space<vmem>> -> memref<128x128xf32, #tpu.memory_space<vmem>>
    %dma_wait3A_433 = arith.constant 0 : i32
    %dma_wait3A_434 = tpu.memref_slice %arg5[%dma_wait3A_426, %dma_wait3A_427, %dma_wait3A_433] : memref<3x2x128xi32, #tpu.memory_space<vmem>> -> memref<1x1x128xi32, #tpu.memory_space<vmem>>
    %dma_wait3A_435 = tpu.memref_squeeze %dma_wait3A_434 : memref<1x1x128xi32, #tpu.memory_space<vmem>> -> memref<128xi32, #tpu.memory_space<vmem>>
    %dma_wait3A_436 = arith.constant 0 : i32
    %dma_wait3A_437 = arith.constant 0 : i32
    %dma_wait3A_438 = tpu.memref_slice %arg3[%dma_wait3A_436, %dma_wait3A_437] : memref<100000x128xf32, #tpu.memory_space<hbm>> -> memref<100000x128xf32, #tpu.memory_space<hbm>>
    tpu.wait_indirect_dma semaphore(%arg12 : memref<!tpu.dma_semaphore, #tpu.memory_space<semaphore_mem>>) src(%dma_wait3A_438 : memref<100000x128xf32, #tpu.memory_space<hbm>>) dst(%dma_wait3A_432 : memref<128x128xf32, #tpu.memory_space<vmem>>)
    %dma_wait3A_439 = arith.constant 2 : i32
    %dma_wait3A_440 = arith.constant 1 : i32
    %dma_wait3A_441 = arith.constant 2 : i32
    %dma_wait3A_442 = arith.constant 128 : i32
    %dma_wait3A_443 = arith.constant 0 : i32
    %dma_wait3A_444 = tpu.memref_slice %arg6[%dma_wait3A_441, %dma_wait3A_442, %dma_wait3A_443] : memref<3x256x128xf32, #tpu.memory_space<vmem>> -> memref<1x128x128xf32, #tpu.memory_space<vmem>>
    %dma_wait3A_445 = tpu.memref_squeeze %dma_wait3A_444 : memref<1x128x128xf32, #tpu.memory_space<vmem>> -> memref<128x128xf32, #tpu.memory_space<vmem>>
    %dma_wait3A_446 = arith.constant 0 : i32
    %dma_wait3A_447 = tpu.memref_slice %arg5[%dma_wait3A_439, %dma_wait3A_440, %dma_wait3A_446] : memref<3x2x128xi32, #tpu.memory_space<vmem>> -> memref<1x1x128xi32, #tpu.memory_space<vmem>>
    %dma_wait3A_448 = tpu.memref_squeeze %dma_wait3A_447 : memref<1x1x128xi32, #tpu.memory_space<vmem>> -> memref<128xi32, #tpu.memory_space<vmem>>
    %dma_wait3A_449 = arith.constant 0 : i32
    %dma_wait3A_450 = arith.constant 0 : i32
    %dma_wait3A_451 = tpu.memref_slice %arg3[%dma_wait3A_449, %dma_wait3A_450] : memref<100000x128xf32, #tpu.memory_space<hbm>> -> memref<100000x128xf32, #tpu.memory_space<hbm>>
    tpu.wait_indirect_dma semaphore(%arg12 : memref<!tpu.dma_semaphore, #tpu.memory_space<semaphore_mem>>) src(%dma_wait3A_451 : memref<100000x128xf32, #tpu.memory_space<hbm>>) dst(%dma_wait3A_445 : memref<128x128xf32, #tpu.memory_space<vmem>>)
    %add3A_452 = arith.constant 101888 : i32
    %add3A_453 = arith.addi %mul3A_4, %add3A_452 : i32
    %dma_start3A_454 = arith.constant 2 : i32
    %dma_start3A_455 = arith.constant 0 : i32
    %dma_start3A_456 = arith.constant 0 : i32
    %dma_start3A_457 = tpu.memref_slice %arg6[%dma_start3A_454, %dma_start3A_455, %dma_start3A_456] : memref<3x256x128xf32, #tpu.memory_space<vmem>> -> memref<1x256x128xf32, #tpu.memory_space<vmem>>
    %dma_start3A_458 = tpu.memref_squeeze %dma_start3A_457 : memref<1x256x128xf32, #tpu.memory_space<vmem>> -> memref<256x128xf32, #tpu.memory_space<vmem>>
    %dma_start3A_459 = arith.constant 0 : i32
    %dma_start3A_460 = tpu.memref_slice %arg4[%add3A_453, %dma_start3A_459] : memref<3276800x128xf32, #tpu.memory_space<hbm>> -> memref<256x128xf32, #tpu.memory_space<hbm>>
    %dma_start3A_461 = arith.constant 0 : i32
    %dma_start3A_462 = tpu.memref_slice %arg4[%add3A_453, %dma_start3A_461] : memref<3276800x128xf32, #tpu.memory_space<hbm>> -> memref<256x128xf32, #tpu.memory_space<hbm>>
    %dma_start3A_463 = arith.constant 0 : i32
    %dma_start3A_464 = arith.constant 0 : i32
    %dma_start3A_465 = tpu.memref_slice %arg6[%dma_start3A_454, %dma_start3A_463, %dma_start3A_464] : memref<3x256x128xf32, #tpu.memory_space<vmem>> -> memref<1x256x128xf32, #tpu.memory_space<vmem>>
    %dma_start3A_466 = tpu.memref_squeeze %dma_start3A_465 : memref<1x256x128xf32, #tpu.memory_space<vmem>> -> memref<256x128xf32, #tpu.memory_space<vmem>>
    tpu.enqueue_dma source(%dma_start3A_466 : memref<256x128xf32, #tpu.memory_space<vmem>>) target(%dma_start3A_462 : memref<256x128xf32, #tpu.memory_space<hbm>>) target_semaphore(%arg15 : memref<!tpu.dma_semaphore, #tpu.memory_space<semaphore_mem>>)
    %dma_wait3A_467 = arith.constant 0 : i32
    %dma_wait3A_468 = arith.constant 0 : i32
    %dma_wait3A_469 = arith.constant 0 : i32
    %dma_wait3A_470 = arith.constant 0 : i32
    %dma_wait3A_471 = arith.constant 0 : i32
    %dma_wait3A_472 = tpu.memref_slice %arg6[%dma_wait3A_469, %dma_wait3A_470, %dma_wait3A_471] : memref<3x256x128xf32, #tpu.memory_space<vmem>> -> memref<1x128x128xf32, #tpu.memory_space<vmem>>
    %dma_wait3A_473 = tpu.memref_squeeze %dma_wait3A_472 : memref<1x128x128xf32, #tpu.memory_space<vmem>> -> memref<128x128xf32, #tpu.memory_space<vmem>>
    %dma_wait3A_474 = arith.constant 0 : i32
    %dma_wait3A_475 = tpu.memref_slice %arg5[%dma_wait3A_467, %dma_wait3A_468, %dma_wait3A_474] : memref<3x2x128xi32, #tpu.memory_space<vmem>> -> memref<1x1x128xi32, #tpu.memory_space<vmem>>
    %dma_wait3A_476 = tpu.memref_squeeze %dma_wait3A_475 : memref<1x1x128xi32, #tpu.memory_space<vmem>> -> memref<128xi32, #tpu.memory_space<vmem>>
    %dma_wait3A_477 = arith.constant 0 : i32
    %dma_wait3A_478 = arith.constant 0 : i32
    %dma_wait3A_479 = tpu.memref_slice %arg3[%dma_wait3A_477, %dma_wait3A_478] : memref<100000x128xf32, #tpu.memory_space<hbm>> -> memref<100000x128xf32, #tpu.memory_space<hbm>>
    tpu.wait_indirect_dma semaphore(%arg10 : memref<!tpu.dma_semaphore, #tpu.memory_space<semaphore_mem>>) src(%dma_wait3A_479 : memref<100000x128xf32, #tpu.memory_space<hbm>>) dst(%dma_wait3A_473 : memref<128x128xf32, #tpu.memory_space<vmem>>)
    %dma_wait3A_480 = arith.constant 0 : i32
    %dma_wait3A_481 = arith.constant 1 : i32
    %dma_wait3A_482 = arith.constant 0 : i32
    %dma_wait3A_483 = arith.constant 128 : i32
    %dma_wait3A_484 = arith.constant 0 : i32
    %dma_wait3A_485 = tpu.memref_slice %arg6[%dma_wait3A_482, %dma_wait3A_483, %dma_wait3A_484] : memref<3x256x128xf32, #tpu.memory_space<vmem>> -> memref<1x128x128xf32, #tpu.memory_space<vmem>>
    %dma_wait3A_486 = tpu.memref_squeeze %dma_wait3A_485 : memref<1x128x128xf32, #tpu.memory_space<vmem>> -> memref<128x128xf32, #tpu.memory_space<vmem>>
    %dma_wait3A_487 = arith.constant 0 : i32
    %dma_wait3A_488 = tpu.memref_slice %arg5[%dma_wait3A_480, %dma_wait3A_481, %dma_wait3A_487] : memref<3x2x128xi32, #tpu.memory_space<vmem>> -> memref<1x1x128xi32, #tpu.memory_space<vmem>>
    %dma_wait3A_489 = tpu.memref_squeeze %dma_wait3A_488 : memref<1x1x128xi32, #tpu.memory_space<vmem>> -> memref<128xi32, #tpu.memory_space<vmem>>
    %dma_wait3A_490 = arith.constant 0 : i32
    %dma_wait3A_491 = arith.constant 0 : i32
    %dma_wait3A_492 = tpu.memref_slice %arg3[%dma_wait3A_490, %dma_wait3A_491] : memref<100000x128xf32, #tpu.memory_space<hbm>> -> memref<100000x128xf32, #tpu.memory_space<hbm>>
    tpu.wait_indirect_dma semaphore(%arg10 : memref<!tpu.dma_semaphore, #tpu.memory_space<semaphore_mem>>) src(%dma_wait3A_492 : memref<100000x128xf32, #tpu.memory_space<hbm>>) dst(%dma_wait3A_486 : memref<128x128xf32, #tpu.memory_space<vmem>>)
    %add3A_493 = arith.constant 102144 : i32
    %add3A_494 = arith.addi %mul3A_4, %add3A_493 : i32
    %dma_start3A_495 = arith.constant 0 : i32
    %dma_start3A_496 = arith.constant 0 : i32
    %dma_start3A_497 = arith.constant 0 : i32
    %dma_start3A_498 = tpu.memref_slice %arg6[%dma_start3A_495, %dma_start3A_496, %dma_start3A_497] : memref<3x256x128xf32, #tpu.memory_space<vmem>> -> memref<1x256x128xf32, #tpu.memory_space<vmem>>
    %dma_start3A_499 = tpu.memref_squeeze %dma_start3A_498 : memref<1x256x128xf32, #tpu.memory_space<vmem>> -> memref<256x128xf32, #tpu.memory_space<vmem>>
    %dma_start3A_500 = arith.constant 0 : i32
    %dma_start3A_501 = tpu.memref_slice %arg4[%add3A_494, %dma_start3A_500] : memref<3276800x128xf32, #tpu.memory_space<hbm>> -> memref<256x128xf32, #tpu.memory_space<hbm>>
    %dma_start3A_502 = arith.constant 0 : i32
    %dma_start3A_503 = tpu.memref_slice %arg4[%add3A_494, %dma_start3A_502] : memref<3276800x128xf32, #tpu.memory_space<hbm>> -> memref<256x128xf32, #tpu.memory_space<hbm>>
    %dma_start3A_504 = arith.constant 0 : i32
    %dma_start3A_505 = arith.constant 0 : i32
    %dma_start3A_506 = tpu.memref_slice %arg6[%dma_start3A_495, %dma_start3A_504, %dma_start3A_505] : memref<3x256x128xf32, #tpu.memory_space<vmem>> -> memref<1x256x128xf32, #tpu.memory_space<vmem>>
    %dma_start3A_507 = tpu.memref_squeeze %dma_start3A_506 : memref<1x256x128xf32, #tpu.memory_space<vmem>> -> memref<256x128xf32, #tpu.memory_space<vmem>>
    tpu.enqueue_dma source(%dma_start3A_507 : memref<256x128xf32, #tpu.memory_space<vmem>>) target(%dma_start3A_503 : memref<256x128xf32, #tpu.memory_space<hbm>>) target_semaphore(%arg13 : memref<!tpu.dma_semaphore, #tpu.memory_space<semaphore_mem>>)
    %dma_wait3A_508 = arith.constant 0 : i32
    %dma_wait3A_509 = arith.constant 0 : i32
    %dma_wait3A_510 = arith.constant 0 : i32
    %dma_wait3A_511 = tpu.memref_slice %arg6[%dma_wait3A_508, %dma_wait3A_509, %dma_wait3A_510] : memref<3x256x128xf32, #tpu.memory_space<vmem>> -> memref<1x256x128xf32, #tpu.memory_space<vmem>>
    %dma_wait3A_512 = tpu.memref_squeeze %dma_wait3A_511 : memref<1x256x128xf32, #tpu.memory_space<vmem>> -> memref<256x128xf32, #tpu.memory_space<vmem>>
    %dma_wait3A_513 = arith.constant 0 : i32
    %dma_wait3A_514 = tpu.memref_slice %arg4[%mul3A_4, %dma_wait3A_513] : memref<3276800x128xf32, #tpu.memory_space<hbm>> -> memref<256x128xf32, #tpu.memory_space<hbm>>
    %dma_wait3A_515 = arith.constant 0 : i32
    %dma_wait3A_516 = tpu.memref_slice %arg4[%mul3A_4, %dma_wait3A_515] : memref<3276800x128xf32, #tpu.memory_space<hbm>> -> memref<256x128xf32, #tpu.memory_space<hbm>>
    %dma_wait3A_517 = arith.constant 0 : i32
    %dma_wait3A_518 = arith.constant 0 : i32
    %dma_wait3A_519 = tpu.memref_slice %arg6[%dma_wait3A_508, %dma_wait3A_517, %dma_wait3A_518] : memref<3x256x128xf32, #tpu.memory_space<vmem>> -> memref<1x256x128xf32, #tpu.memory_space<vmem>>
    %dma_wait3A_520 = tpu.memref_squeeze %dma_wait3A_519 : memref<1x256x128xf32, #tpu.memory_space<vmem>> -> memref<256x128xf32, #tpu.memory_space<vmem>>
    tpu.wait_dma2 semaphore(%arg13 : memref<!tpu.dma_semaphore, #tpu.memory_space<semaphore_mem>>) src(%dma_wait3A_520 : memref<256x128xf32, #tpu.memory_space<vmem>>) dst(%dma_wait3A_516 : memref<256x128xf32, #tpu.memory_space<hbm>>)
    %dma_wait3A_521 = arith.constant 1 : i32
    %dma_wait3A_522 = arith.constant 0 : i32
    %dma_wait3A_523 = arith.constant 0 : i32
    %dma_wait3A_524 = tpu.memref_slice %arg6[%dma_wait3A_521, %dma_wait3A_522, %dma_wait3A_523] : memref<3x256x128xf32, #tpu.memory_space<vmem>> -> memref<1x256x128xf32, #tpu.memory_space<vmem>>
    %dma_wait3A_525 = tpu.memref_squeeze %dma_wait3A_524 : memref<1x256x128xf32, #tpu.memory_space<vmem>> -> memref<256x128xf32, #tpu.memory_space<vmem>>
    %dma_wait3A_526 = arith.constant 0 : i32
    %dma_wait3A_527 = tpu.memref_slice %arg4[%mul3A_4, %dma_wait3A_526] : memref<3276800x128xf32, #tpu.memory_space<hbm>> -> memref<256x128xf32, #tpu.memory_space<hbm>>
    %dma_wait3A_528 = arith.constant 0 : i32
    %dma_wait3A_529 = tpu.memref_slice %arg4[%mul3A_4, %dma_wait3A_528] : memref<3276800x128xf32, #tpu.memory_space<hbm>> -> memref<256x128xf32, #tpu.memory_space<hbm>>
    %dma_wait3A_530 = arith.constant 0 : i32
    %dma_wait3A_531 = arith.constant 0 : i32
    %dma_wait3A_532 = tpu.memref_slice %arg6[%dma_wait3A_521, %dma_wait3A_530, %dma_wait3A_531] : memref<3x256x128xf32, #tpu.memory_space<vmem>> -> memref<1x256x128xf32, #tpu.memory_space<vmem>>
    %dma_wait3A_533 = tpu.memref_squeeze %dma_wait3A_532 : memref<1x256x128xf32, #tpu.memory_space<vmem>> -> memref<256x128xf32, #tpu.memory_space<vmem>>
    tpu.wait_dma2 semaphore(%arg14 : memref<!tpu.dma_semaphore, #tpu.memory_space<semaphore_mem>>) src(%dma_wait3A_533 : memref<256x128xf32, #tpu.memory_space<vmem>>) dst(%dma_wait3A_529 : memref<256x128xf32, #tpu.memory_space<hbm>>)
    %dma_wait3A_534 = arith.constant 2 : i32
    %dma_wait3A_535 = arith.constant 0 : i32
    %dma_wait3A_536 = arith.constant 0 : i32
    %dma_wait3A_537 = tpu.memref_slice %arg6[%dma_wait3A_534, %dma_wait3A_535, %dma_wait3A_536] : memref<3x256x128xf32, #tpu.memory_space<vmem>> -> memref<1x256x128xf32, #tpu.memory_space<vmem>>
    %dma_wait3A_538 = tpu.memref_squeeze %dma_wait3A_537 : memref<1x256x128xf32, #tpu.memory_space<vmem>> -> memref<256x128xf32, #tpu.memory_space<vmem>>
    %dma_wait3A_539 = arith.constant 0 : i32
    %dma_wait3A_540 = tpu.memref_slice %arg4[%mul3A_4, %dma_wait3A_539] : memref<3276800x128xf32, #tpu.memory_space<hbm>> -> memref<256x128xf32, #tpu.memory_space<hbm>>
    %dma_wait3A_541 = arith.constant 0 : i32
    %dma_wait3A_542 = tpu.memref_slice %arg4[%mul3A_4, %dma_wait3A_541] : memref<3276800x128xf32, #tpu.memory_space<hbm>> -> memref<256x128xf32, #tpu.memory_space<hbm>>
    %dma_wait3A_543 = arith.constant 0 : i32
    %dma_wait3A_544 = arith.constant 0 : i32
    %dma_wait3A_545 = tpu.memref_slice %arg6[%dma_wait3A_534, %dma_wait3A_543, %dma_wait3A_544] : memref<3x256x128xf32, #tpu.memory_space<vmem>> -> memref<1x256x128xf32, #tpu.memory_space<vmem>>
    %dma_wait3A_546 = tpu.memref_squeeze %dma_wait3A_545 : memref<1x256x128xf32, #tpu.memory_space<vmem>> -> memref<256x128xf32, #tpu.memory_space<vmem>>
    tpu.wait_dma2 semaphore(%arg15 : memref<!tpu.dma_semaphore, #tpu.memory_space<semaphore_mem>>) src(%dma_wait3A_546 : memref<256x128xf32, #tpu.memory_space<vmem>>) dst(%dma_wait3A_542 : memref<256x128xf32, #tpu.memory_space<hbm>>)
    return
  }
}

</mosaic_0001>

<sc_bundles>
// kernel: kernel.3.cloned.1.call-start
scs
__scs_entry_jumppad:
0x0: {  	(pc) =	sbr.rel $0x88, $3  }
0x1: {  	(tag) =	ssettag $0x0;
	lr =	simm.s32 $0x1  }
0x2: {  	[smem:$0x3F9F] =	sst lr;
	_ =	strace $0xD0000000  }
0x3: {  	_ = 	snop  }
0x4: {  	_ = 	snop  }
0x5: {  	_ = 	snop  }
0x6: {  	_ = 	snop  }
0x7: {  	_ = 	snop  }
__scs_overlays_trampoline_lowered:
0x8: {  	[smem:$0x3FAE] =	sst s0  }
0x9: {  	[smem:$0x3FAF] =	sst s1  }
0xa: {  	[smem:$0x3FB0] =	sst s2  }
0xb: {  	[smem:$0x3FB1] =	sst s3  }
0xc: {  	[smem:$0x3FB2] =	sst s4  }
0xd: {  	[smem:$0x3FB3] =	sst s5  }
0xe: {  	[smem:$0x3FB4] =	sst s6  }
0xf: {  	[smem:$0x3FB5] =	sst s7  }
0x10: {  	[smem:$0x3FB6] =	sst s8  }
0x11: {  	[smem:$0x3FB7] =	sst s9;
	s0 =	simm.s32 @!p0 $0x0  }
0x12: {  	s1 =	sld [smem:$0x3F9D];
	s0 =	simm.s32 @p0 $0x1  }
0x13: {  	[smem:$0x3FB8] =	sst s0;
	s0 =	simm.s32 @!p1 $0x0  }
0x14: {  	s2 =	sld [smem:$0x3F9C];
	s0 =	simm.s32 @p1 $0x1  }
0x15: {  	[smem:$0x3FB9] =	sst s0;
	s0 =	simm.s32 @!p2 $0x0  }
0x16: {  	s3 =	sld [smem:$0x3FDB];
	s0 =	simm.s32 @p2 $0x1  }
0x17: {  	s4 =	simm.s32 $0x1BF5;
	[smem:$0x3FBB] =	sst s0  }
0x18: {  	s0 =	sld [smem:$0x3F9E];
	_ =	swait.ge [sflag:s4], $0x0  }
0x19: {  	s7 =	sld [smem:$0x3F9F]  }
0x1a: {  	s8 =	sadd.s32 $0xFFFFE003, lr  }
0x1b: {  	s9 =	sadd.s32 $0xFFFFFEF7, lr;
	s5 =	simm.s32 $0xFFFFFFFF;
	p2 =	slt.u32 s8, $0xFFFFF086  }
0x1c: {  	p1 =	slt.u32 s9, $0xF7A;
	s5 =	simm.s32 @!p2 $0x0  }
0x1d: {  	s5 =	simm.s32 @p1 $0x1;
	p0 =	seq.s32 s7, s2  }
0x1e: {  	s7 =	smul.u32 @!p0 $0xF7A, s2;
	p2 =	seq.s32 @!p0 s5, $0x0  }
0x1f: {  	s9 =	smul.u32 $0xF7A, s1;
	s8 =	simm.s32 @!p0 $0x1BF5;
	p2 =	por !p2, p0  }
0x20: {  	[sflag:s8] =	ssyncset.s32 @!p0 $0xFFFFF086;
	s6 =	sadd.s32 @!p0 s3, s7;
	s7 =	simm.s32 @!p0 $0x108  }
0x21: {  	s3 =	sadd.s32 s3, s9;
	s6 =	sadd.s32 @!p0 $0x88, s6;
	s7 =	simm.s32 @p2 $0x1082  }
0x22: {  	[simem:s7], [sflag:s8] =	dma.local @!p0 [hbm:s6], $0xF7A  }
0x23: {  	s9 =	sor.u32 $0xD0000000, s2;
	s6 =	simm.s32 $0x108;
	_ =	swait.ge @!p0 [sflag:s8], $0x0  }
0x24: {  	s3 =	sadd.s32 $0x88, s3;
	s6 =	simm.s32 @!p1 $0x1082;
	[sflag:s4] =	ssyncset.s32 $0xFFFFF086  }
0x25: {  	[simem:s6], [sflag:s4] =	dma.local [hbm:s3], $0xF7A  }
0x26: {  	[smem:$0x3F9F] =	sst s1;
	(tag) =	ssettag s2;
	_ =	strace s9  }
0x27: {  	s1 =	sld [smem:$0x3FAF]  }
0x28: {  	s2 =	sld [smem:$0x3FB0]  }
0x29: {  	s4 =	sld [smem:$0x3FB2]  }
0x2a: {  	p0 =	seq.s32 s5, $0x0;
	s5 =	sld [smem:$0x3FB3]  }
0x2b: {  	s6 =	sld [smem:$0x3FB4]  }
0x2c: {  	s7 =	sld [smem:$0x3FB5]  }
0x2d: {  	s3 =	simm.s32 $0x108;
	s8 =	sld [smem:$0x3FB6]  }
0x2e: {  	s3 =	simm.s32 @!p0 $0x1082;
	s9 =	sld [smem:$0x3FB7]  }
0x2f: {  	lr =	sadd.s32 s0, s3;
	s0 =	sld [smem:$0x3FAE]  }
0x30: {  	s3 =	sld [smem:$0x3FB1]  }
0x31: {  	[smem:$0x3FBA] =	sst s10  }
0x32: {  	s10 =	sld [smem:$0x3FB8];
	_ =	sdelay $0x3  }
0x33: {  	p0 =	seq.s32 s10, $0x1;
	s10 =	sld [smem:$0x3FBA];
	_ =	sdelay $0x3  }
0x34: {  	[smem:$0x3FBA] =	sst s10  }
0x35: {  	s10 =	sld [smem:$0x3FB9];
	_ =	sdelay $0x3  }
0x36: {  	p1 =	seq.s32 s10, $0x1;
	s10 =	sld [smem:$0x3FBA];
	_ =	sdelay $0x3  }
0x37: {  	[smem:$0x3FBA] =	sst s10  }
0x38: {  	s10 =	sld [smem:$0x3FBB]  }
0x39: {  	_ = 	snop;
	(pc) =	sbr.ind lr, $3  }
0x3a: {  	_ = 	snop  }
0x3b: {  	_ = 	snop  }
0x3c: {  	p2 =	seq.s32 s10, $0x1;
	s10 =	sld [smem:$0x3FBA]  }
0x3d: {  	_ =	shalt  }
0x3e: {  	_ =	shalt  }
0x3f: {  	_ =	shalt  }
0x40: {  	_ =	shalt  }
0x41: {  	_ =	shalt  }
0x42: {  	_ =	shalt  }
0x43: {  	_ =	shalt  }
0x44: {  	_ =	shalt  }
0x45: {  	_ =	shalt  }
0x46: {  	_ =	shalt  }
0x47: {  	_ =	shalt  }
0x48: {  	_ =	shalt  }
0x49: {  	_ =	shalt  }
0x4a: {  	_ =	shalt  }
0x4b: {  	_ =	shalt  }
0x4c: {  	_ =	shalt  }
0x4d: {  	_ =	shalt  }
0x4e: {  	_ =	shalt  }
0x4f: {  	_ =	shalt  }
0x50: {  	_ =	shalt  }
0x51: {  	_ =	shalt  }
0x52: {  	_ =	shalt  }
0x53: {  	_ =	shalt  }
0x54: {  	_ =	shalt  }
0x55: {  	_ =	shalt  }
0x56: {  	_ =	shalt  }
0x57: {  	_ =	shalt  }
0x58: {  	_ =	shalt  }
0x59: {  	_ =	shalt  }
0x5a: {  	_ =	shalt  }
0x5b: {  	_ =	shalt  }
0x5c: {  	_ =	shalt  }
0x5d: {  	_ =	shalt  }
0x5e: {  	_ =	shalt  }
0x5f: {  	_ =	shalt  }
0x60: {  	_ =	shalt  }
0x61: {  	_ =	shalt  }
0x62: {  	_ =	shalt  }
0x63: {  	_ =	shalt  }
0x64: {  	_ =	shalt  }
0x65: {  	_ =	shalt  }
0x66: {  	_ =	shalt  }
0x67: {  	_ =	shalt  }
0x68: {  	_ =	shalt  }
0x69: {  	_ =	shalt  }
0x6a: {  	_ =	shalt  }
0x6b: {  	_ =	shalt  }
0x6c: {  	_ =	shalt  }
0x6d: {  	_ =	shalt  }
0x6e: {  	_ =	shalt  }
0x6f: {  	_ =	shalt  }
0x70: {  	_ =	shalt  }
0x71: {  	_ =	shalt  }
0x72: {  	_ =	shalt  }
0x73: {  	_ =	shalt  }
0x74: {  	_ =	shalt  }
0x75: {  	_ =	shalt  }
0x76: {  	_ =	shalt  }
0x77: {  	_ =	shalt  }
0x78: {  	_ =	shalt  }
0x79: {  	_ =	shalt  }
0x7a: {  	_ =	shalt  }
0x7b: {  	_ =	shalt  }
0x7c: {  	_ =	shalt  }
0x7d: {  	_ =	shalt  }
0x7e: {  	_ =	shalt  }
0x7f: {  	_ =	shalt  }
0x80: {  	_ =	shalt  }
0x81: {  	_ =	shalt  }
0x82: {  	_ =	shalt  }
0x83: {  	_ =	shalt  }
0x84: {  	_ =	shalt  }
0x85: {  	_ =	shalt  }
0x86: {  	_ =	shalt  }
0x87: {  	_ =	shalt  }
.Lfunc_end0:
.L_simem_size_0:
called_computation.1_lowered:
.L_overlay_start_0:
0x88: {  	s2 =	sld [smem:$0x3FD9]  }
0x89: {  	s3 =	sld [smem:$0x3FFE];
	_ =	sdelay $0x1  }
0x8a: {  	s1 =	srdreg.scid  }
0x8b: {  	s0 =	sand.u32 $0x1, s1  }
0x8c: {  	s16 =	sshll.u32 s0, $0xA;
	s2 =	sadd.s32 s3, s2  }
0x8d: {  	s2 =	sadd.s32 s2, s16  }
0x8e: {  	[smem:$0x3FC6] =	sst s2  }
0x8f: {  	_ = 	snop  }
0x90: {  	(tm) =	ssettm $0x1  }
0x91: {  	s17 =	sld [smem:$0x3FFB];
	_ =	sdelay $0x3  }
0x92: {  	_ =	strace s17  }
0x93: {  	s2 =	sld [smem:$0x3FFC];
	_ =	sdelay $0x3  }
0x94: {  	_ =	strace s2  }
0x95: {  	s2 =	sld [smem:$0x3FFD];
	_ =	sdelay $0x3  }
0x96: {  	_ =	strace s2  }
0x97: {  	_ =	strace $0x8FFFFFFF  }
0x98: {  	s18 =	sld [smem:$0x3FDB];
	_ =	sdelay $0x1  }
0x99: {  	s19 =	simm.s32 $_scs_section_size  }
0x9a: {  	s4 =	simm.s32 $_size__tile_overlayer_lowered;
	s5 =	simm.s32 $_tile_overlayer_lowered  }
0x9b: {  	s22 =	simm.s32 $0x1BFF;
	s21 =	sshll.u32 s5, $0x1;
	s2 =	sadd.s32 s19, s18  }
0x9c: {  	s6 =	simm.s32 $0x0;
	s20 =	sshll.u32 s4, $0x1;
	s4 =	sadd.s32 s21, s2  }
0x9d: {  	[timem:s6], [sflag:s22] =	dma.local [hbm:s4], s20  }
0x9e: {  	_ =	swait.ge [sflag:s22], s20  }
0x9f: {  	s3 =	ssub.s32 $0x0, s20;
	[sflag:s22] =	ssyncset.done $0x0  }
0xa0: {  	[sflag:s22] =	ssyncadd.s32 s3;
	_ =	sdelay $0x1  }
0xa1: {  	s23 =	simm.s32 $0x1B8B  }
0xa2: {  	_ =	swait.ge [sflag:s23], $0x1  }
0xa3: {  	[sflag:s23] =	ssyncset.done $0x0  }
0xa4: {  	s25 =	simm.s32 $0x1B8E;
	s24 =	sld [smem:$0x3FFE];
	[sflag:s23] =	ssyncadd.s32 $0xFFFFFFFF  }
0xa5: {  	s26 =	simm.s32 $execute0_lowered;
	[smem:$0x3FD2] =	sst s25  }
0xa6: {  	s4 =	sshll.u32 s26, $0x1;
	_ =	strace $0x80000046;
	[dreg:$0x1] =	wrdreg $0xFFFFFFFF  }
0xa7: {  	s28 =	simm.s32 $_size_execute0_lowered;
	s2 =	sadd.s32 s2, s4;
	[dreg:$0x0] =	wrdreg $0x0  }
0xa8: {  	s4 =	sshll.u32 s28, $0x1;
	[dreg:$0x2] =	wrdreg s2  }
0xa9: {  	[dreg:$0x3] =	wrdreg s4  }
0xaa: {  	[dreg:$0x4] =	wrdreg $0xC0  }
0xab: {  	_ =	task [dreg:s6], $0x5FFFF  }
0xac: {  	[dreg:$0x1] =	wrdreg $0xFFFFFFFF  }
0xad: {  	[dreg:$0x0] =	wrdreg $0x60  }
0xae: {  	[dreg:$0x2] =	wrdreg s24  }
0xaf: {  	[dreg:$0x3] =	wrdreg $0x9  }
0xb0: {  	_ =	task.clear_ibuf [dreg:s6], $0x4FFFF;
	_ =	strace $0x90000046  }
0xb1: {  	s29 =	simm.s32 $0x9;
	_ =	strace $0x80000048  }
0xb2: {  	_ =	swait.ge [sflag:s29], $0x1  }
0xb3: {  	[sflag:s29] =	ssyncadd.s32 $0xFFFFFFFF  }
0xb4: {  	_ =	strace $0x90000048  }
0xb5: {  	_ =	sfence  }
0xb6: {  	s30 =	sld [smem:$0x0];
	_ =	sdelay $0x2  }
0xb7: {  	s31 =	sshll.u32 s1, $0xD;
	s1 =	sshrl.u32 s1, $0x2  }
0xb8: {  	s3 =	sand.u32 $0x4000, s31;
	s1 =	sadd.s32 s1, s30  }
0xb9: {  	s0 =	sor.u32 s3, s0;
	s1 =	sshll.u32 s1, $0x11  }
0xba: {  	s0 =	sor.u32 s1, s0  }
0xbb: {  	s0 =	sadd.s32 $0x8F2B, s0  }
0xbc: {  	[sflag:s0] =	ssyncadd.remote.s32 $0x1  }
0xbd: {  	_ =	sfence.sel $0xFFFF  }
0xbe: {  	[dreg:$0x0] =	wrdreg $0xFFFFFFFF;
	(pc) =	sbr.abs _section_cstart, $3  }
0xbf: {  	[dreg:$0x1] =	wrdreg $0xFFFFFFFF  }
0xc0: {  	_ =	task.clear_ibuf [dreg:s6], $0x2FFFF;
	_ =	strace $0x9FFFFFFF  }
0xc1: {  	(tm) =	ssettm $0x7FFFFFFF  }
tec
execute0_lowered:
.L_overlay_start_1:
0x0: {  	(tag) =	ssettag $0x1  }
0x1: {  	s0 =	rddreg [dreg:$0x0]  }
0x2: {  	s1 =	srdreg.scid;
	s10 =	stileid.u32;
	s2 =	simm.s32 $0x0  }
0x3: {  	s17 =	simm.s32 $0x100;
	s18 =	simm.s32 $0x200;
	s28 =	simm.s32 $0x4  }
0x4: {  	s29 =	simm.s32 $0x3;
	s30 =	simm.s32 $0x10300;
	s22 =	smul.u32 $0x320000, s10  }
0x5: {  	s1 =	sand.u32 $0x1, s1;
	s3 =	sshll.u32 s10, $0x1;
	s10 =	smul.u32 $0x6400, s10  }
0x6: {  	s31 =	simm.s32 $0x280;
	s5 =	sor.u32 s1, s3;
	s23 =	smul.u32 $0x190000, s1  }
0x7: {  	[smem:$0x7FF] =	sst s2;
	s6 =	sadd.s32 $0x800, s0;
	s4 =	smul.u32 $0x3200, s5  }
0x8: {  	_ =	strace $0x80000047;
	s7 =	ssub.s32 $0x2, s1;
	s9 =	smul.u32 $0x190000, s5  }
0x9: {  	s3 =	sadd.s32 $0x64800, s0;
	s8 =	sshrl.u32 s7, $0x1;
	s5 =	smul.u32 $0xC80000, s5  }
0xa: {  	s0 =	sadd.s32 $0x1EB200, s0;
	s1 =	smul.u32 $0x3200, s1;
	s7 =	ssub.s32 s7, s8  }
0xb: {  	s4 =	sadd.s32 s6, s4;
	s11 =	sadd.s32 s0, s9;
	s5 =	sshrl.u32 s5, $0x3  }
0xc: {  	s6 =	sadd.s32 s10, s6;
	s26 =	smax.u32 s7, $0x1;
	s7 =	simm.s32 $0x6  }
0xd: {  	s9 =	simm.s32 $0x8;
	s10 =	simm.s32 $0x0;
	[dreg:$0x5] =	wrdreg s11  }
0xe: {  	s19 =	sadd.s32 $0x20, s4;
	s20 =	sadd.s32 $0x40, s4;
	[dreg:$0xb] =	wrdreg s26  }
0xf: {  	s21 =	sadd.s32 $0x60, s4;
	s12 =	sadd.s32 $0x80, s4;
	[dreg:$0x2] =	wrdreg s19  }
0x10: {  	s5 =	sadd.s32 s0, s5;
	s11 =	sadd.s32 $0x1000, s11;
	[dreg:$0x3] =	wrdreg s20  }
0x11: {  	s0 =	sadd.s32 s22, s0;
	s1 =	sadd.s32 s1, s6;
	[dreg:$0x4] =	wrdreg s21  }
0x12: {  	s22 =	simm.s32 $0x4300;
	s26 =	simm.s32 $0xC300;
	[dreg:$0x6] =	wrdreg s12  }
0x13: {  	s6 =	simm.s32 $0x7;
	[dreg:$0x7] =	wrdreg s11;
	s24 =	sadd.s32 $0x18D000, s5  }
0x14: {  	s25 =	sadd.s32 $0x18E000, s5;
	s5 =	sadd.s32 $0x18F000, s5;
	s0 =	sadd.s32 s23, s0  }
.Ltmp0:
0x15: {  	s8 =	sadd.s32 $0xA0, s1;
	s19 =	simm.s32 $0x1;
	(pc) =	sbr.rel .LBB2_1-.Ltmp0, $4  }
0x16: {  	s20 =	simm.s32 $0x80;
	s21 =	simm.s32 $0x300;
	[dreg:$0x8] =	wrdreg s24  }
0x17: {  	s23 =	simm.s32 $0x2;
	s1 =	simm.s32 $0x5;
	[dreg:$0x9] =	wrdreg s25  }
0x18: {  	[dreg:$0xa] =	wrdreg s5;
	s11 =	sadd.s32 $0x2000, s0;
	s24 =	simm.s32 $0x8300  }
0x19: {  	s25 =	simm.s32 $0x180;
	s0 =	simm.s32 $0x14300;
	s5 =	simm.s32 $0x9  }
.LBB2_6:
0x1a: {  	_ =	swait.ge [sflag:s29], $0x100  }
0x1b: {  	[sflag:s29] =	ssyncset.done $0x0  }
0x1c: {  	[sflag:s29] =	ssyncadd.s32 $0xFFFFFF00  }
0x1d: {  	_ =	swait.ge [sflag:s5], $0x8000  }
0x1e: {  	[sflag:s5] =	ssyncset.done $0x0  }
0x1f: {  	[sflag:s5] =	ssyncadd.s32 $0xFFFF8000  }
0x20: {  	[tilespmem:s30], [sflag:$0x6] =	stream.indirect.gather [hbm4b:s3+s20], $0x80, s18, s20, $0xb8;
	[tilespmem:$0x18300] =	vst v63  }
0x21: {  	_ = 	snop  }
0x22: {  	[tilespmem:s0], [sflag:$0x6] =	stream.indirect.gather [hbm4b:s3+s20], $0x80, s31, s20, $0xb8;
	[tilespmem:$0x18300] =	vst v63  }
0x23: {  	_ =	swait.ge [sflag:s1], $0x4000  }
0x24: {  	[sflag:s1] =	ssyncset.done $0x0  }
0x25: {  	[sflag:s1] =	ssyncadd.s32 $0xFFFFC000  }
0x26: {  	_ =	swait.ge [sflag:s1], $0x4000  }
0x27: {  	[sflag:s1] =	ssyncset.done $0x0  }
0x28: {  	s12 =	rddreg [dreg:$0x8];
	[sflag:s1] =	ssyncadd.s32 $0xFFFFC000  }
0x29: {  	[hbm4b:s12+s2] =	stream.linear.scatter [tilespmem:s24], [sflag:$0x8], $0x8000, $0x38;
	[tilespmem:$0x18300] =	vst v63  }
0x2a: {  	_ =	swait.ge [sflag:s19], $0x100  }
0x2b: {  	[sflag:s19] =	ssyncset.done $0x0  }
0x2c: {  	[sflag:s19] =	ssyncadd.s32 $0xFFFFFF00  }
0x2d: {  	_ =	swait.ge [sflag:s6], $0x8000  }
0x2e: {  	[sflag:s6] =	ssyncset.done $0x0  }
0x2f: {  	[sflag:s6] =	ssyncadd.s32 $0xFFFF8000  }
0x30: {  	[tilespmem:s21], [sflag:$0x4] =	stream.indirect.gather [hbm4b:s3+s20], $0x80, s2, s20, $0xb8;
	[tilespmem:$0x18300] =	vst v63  }
0x31: {  	_ = 	snop  }
0x32: {  	[tilespmem:s22], [sflag:$0x4] =	stream.indirect.gather [hbm4b:s3+s20], $0x80, s20, s20, $0xb8;
	[tilespmem:$0x18300] =	vst v63  }
0x33: {  	_ =	swait.ge [sflag:s7], $0x4000  }
0x34: {  	[sflag:s7] =	ssyncset.done $0x0  }
0x35: {  	[sflag:s7] =	ssyncadd.s32 $0xFFFFC000  }
0x36: {  	_ =	swait.ge [sflag:s7], $0x4000  }
0x37: {  	[sflag:s7] =	ssyncset.done $0x0  }
0x38: {  	s14 =	rddreg [dreg:$0x9];
	[sflag:s7] =	ssyncadd.s32 $0xFFFFC000  }
0x39: {  	[hbm4b:s14+s2] =	stream.linear.scatter [tilespmem:s30], [sflag:$0x9], $0x8000, $0x38;
	[tilespmem:$0x18300] =	vst v63  }
0x3a: {  	_ =	swait.ge [sflag:s28], $0x4000  }
0x3b: {  	[sflag:s28] =	ssyncset.done $0x0  }
0x3c: {  	[sflag:s28] =	ssyncadd.s32 $0xFFFFC000  }
0x3d: {  	_ =	swait.ge [sflag:s28], $0x4000  }
0x3e: {  	[sflag:s28] =	ssyncset.done $0x0  }
0x3f: {  	s15 =	rddreg [dreg:$0xa];
	[sflag:s28] =	ssyncadd.s32 $0xFFFFC000  }
0x40: {  	[hbm4b:s15+s2] =	stream.linear.scatter [tilespmem:s21], [sflag:$0x7], $0x8000, $0x38;
	[tilespmem:$0x18300] =	vst v63  }
0x41: {  	_ =	swait.ge [sflag:s6], $0x8000  }
0x42: {  	[sflag:s6] =	ssyncset.done $0x0  }
0x43: {  	[sflag:s6] =	ssyncadd.s32 $0xFFFF8000  }
0x44: {  	_ =	swait.ge [sflag:s9], $0x8000  }
0x45: {  	[sflag:s9] =	ssyncset.done $0x0  }
0x46: {  	[sflag:s9] =	ssyncadd.s32 $0xFFFF8000  }
0x47: {  	_ =	swait.ge [sflag:s5], $0x8000  }
0x48: {  	s10 =	sadd.s32 $0x1, s10;
	s16 =	rddreg [dreg:$0xb]  }
0x49: {  	p0 =	sne.s32 s10, s16  }
.Ltmp1:
0x4a: {  	_ = 	snop;
	(pc) =	sbr.rel @!p0 .LBB2_7-.Ltmp1, $3  }
0x4b: {  	_ =	sdelay $0x1  }
0x4c: {  	[sflag:s5] =	ssyncset.done $0x0  }
0x4d: {  	[sflag:s5] =	ssyncadd.s32 $0xFFFF8000  }
.LBB2_1:
0x4e: {  	[tilespmem:s2], [sflag:$0x1] =	stream.linear.gather [hbm4b:s4+s2], $0x100, $0x38;
	[tilespmem:$0x18300] =	vst v63  }
0x4f: {  	s12 =	rddreg [dreg:$0x2]  }
0x50: {  	[tilespmem:s17], [sflag:$0x2] =	stream.linear.gather [hbm4b:s12+s2], $0x100, $0x38;
	[tilespmem:$0x18300] =	vst v63  }
0x51: {  	s16 =	rddreg [dreg:$0x3]  }
0x52: {  	[tilespmem:s18], [sflag:$0x3] =	stream.linear.gather [hbm4b:s16+s2], $0x100, $0x38;
	[tilespmem:$0x18300] =	vst v63  }
0x53: {  	_ =	swait.ge [sflag:s19], $0x100  }
0x54: {  	[sflag:s19] =	ssyncset.done $0x0  }
0x55: {  	[sflag:s19] =	ssyncadd.s32 $0xFFFFFF00  }
0x56: {  	[tilespmem:s21], [sflag:$0x4] =	stream.indirect.gather [hbm4b:s3+s20], $0x80, s2, s20, $0xb8;
	[tilespmem:$0x18300] =	vst v63  }
0x57: {  	_ = 	snop  }
0x58: {  	[tilespmem:s22], [sflag:$0x4] =	stream.indirect.gather [hbm4b:s3+s20], $0x80, s20, s20, $0xb8;
	[tilespmem:$0x18300] =	vst v63  }
0x59: {  	_ =	swait.ge [sflag:s23], $0x100  }
0x5a: {  	[sflag:s23] =	ssyncset.done $0x0  }
0x5b: {  	[sflag:s23] =	ssyncadd.s32 $0xFFFFFF00  }
0x5c: {  	[tilespmem:s24], [sflag:$0x5] =	stream.indirect.gather [hbm4b:s3+s20], $0x80, s17, s20, $0xb8;
	[tilespmem:$0x18300] =	vst v63  }
0x5d: {  	_ = 	snop  }
0x5e: {  	[tilespmem:s26], [sflag:$0x5] =	stream.indirect.gather [hbm4b:s3+s20], $0x80, s25, s20, $0xb8;
	[tilespmem:$0x18300] =	vst v63  }
0x5f: {  	_ =	swait.ge [sflag:s28], $0x4000  }
0x60: {  	[sflag:s28] =	ssyncset.done $0x0  }
0x61: {  	[sflag:s28] =	ssyncadd.s32 $0xFFFFC000  }
0x62: {  	_ =	swait.ge [sflag:s28], $0x4000  }
0x63: {  	[sflag:s28] =	ssyncset.done $0x0  }
0x64: {  	s13 =	rddreg [dreg:$0x4];
	[sflag:s28] =	ssyncadd.s32 $0xFFFFC000  }
0x65: {  	[tilespmem:s2], [sflag:$0x1] =	stream.linear.gather [hbm4b:s13+s2], $0x100, $0x38;
	[tilespmem:$0x18300] =	vst v63  }
0x66: {  	s14 =	rddreg [dreg:$0x5]  }
0x67: {  	[hbm4b:s14+s2] =	stream.linear.scatter [tilespmem:s21], [sflag:$0x7], $0x8000, $0x38;
	[tilespmem:$0x18300] =	vst v63  }
0x68: {  	_ =	swait.ge [sflag:s29], $0x100  }
0x69: {  	[sflag:s29] =	ssyncset.done $0x0  }
0x6a: {  	[sflag:s29] =	ssyncadd.s32 $0xFFFFFF00  }
0x6b: {  	[tilespmem:s30], [sflag:$0x6] =	stream.indirect.gather [hbm4b:s3+s20], $0x80, s18, s20, $0xb8;
	[tilespmem:$0x18300] =	vst v63  }
0x6c: {  	_ = 	snop  }
0x6d: {  	[tilespmem:s0], [sflag:$0x6] =	stream.indirect.gather [hbm4b:s3+s20], $0x80, s31, s20, $0xb8;
	[tilespmem:$0x18300] =	vst v63  }
0x6e: {  	_ =	swait.ge [sflag:s1], $0x4000  }
0x6f: {  	[sflag:s1] =	ssyncset.done $0x0  }
0x70: {  	[sflag:s1] =	ssyncadd.s32 $0xFFFFC000  }
0x71: {  	_ =	swait.ge [sflag:s1], $0x4000  }
0x72: {  	[sflag:s1] =	ssyncset.done $0x0  }
.Ltmp2:
0x73: {  	s15 =	rddreg [dreg:$0x6];
	[sflag:s1] =	ssyncadd.s32 $0xFFFFC000;
	(pc) =	sbr.rel .LBB2_2-.Ltmp2, $4  }
0x74: {  	[tilespmem:s17], [sflag:$0x2] =	stream.linear.gather [hbm4b:s15+s2], $0x100, $0x38;
	[tilespmem:$0x18300] =	vst v63  }
0x75: {  	s16 =	rddreg [dreg:$0x7]  }
0x76: {  	[hbm4b:s16+s2] =	stream.linear.scatter [tilespmem:s24], [sflag:$0x8], $0x8000, $0x38;
	[tilespmem:$0x18300] =	vst v63  }
0x77: {  	s12 =	simm.s32 $0x0;
	s15 =	smov.u32 s11;
	s16 =	smov.u32 s8  }
.LBB2_4:
0x78: {  	_ =	swait.ge [sflag:s29], $0x100  }
0x79: {  	[sflag:s29] =	ssyncset.done $0x0  }
0x7a: {  	[sflag:s29] =	ssyncadd.s32 $0xFFFFFF00  }
0x7b: {  	_ =	swait.ge [sflag:s5], $0x8000  }
0x7c: {  	[sflag:s5] =	ssyncset.done $0x0  }
0x7d: {  	[sflag:s5] =	ssyncadd.s32 $0xFFFF8000  }
0x7e: {  	[tilespmem:s30], [sflag:$0x6] =	stream.indirect.gather [hbm4b:s3+s20], $0x80, s18, s20, $0xb8;
	[tilespmem:$0x18300] =	vst v63  }
0x7f: {  	_ = 	snop  }
0x80: {  	[tilespmem:s0], [sflag:$0x6] =	stream.indirect.gather [hbm4b:s3+s20], $0x80, s31, s20, $0xb8;
	[tilespmem:$0x18300] =	vst v63  }
0x81: {  	_ =	swait.ge [sflag:s1], $0x4000  }
0x82: {  	[sflag:s1] =	ssyncset.done $0x0  }
0x83: {  	[sflag:s1] =	ssyncadd.s32 $0xFFFFC000  }
0x84: {  	_ =	swait.ge [sflag:s1], $0x4000  }
0x85: {  	[sflag:s1] =	ssyncset.done $0x0  }
0x86: {  	[sflag:s1] =	ssyncadd.s32 $0xFFFFC000  }
0x87: {  	[tilespmem:s17], [sflag:$0x2] =	stream.linear.gather [hbm4b:s16+s2], $0x100, $0x38;
	[tilespmem:$0x18300] =	vst v63  }
0x88: {  	_ = 	snop  }
0x89: {  	[hbm4b:s15+s2] =	stream.linear.scatter [tilespmem:s24], [sflag:$0x8], $0x8000, $0x38;
	[tilespmem:$0x18300] =	vst v63  }
.LBB2_5:
0x8a: {  	s12 =	sadd.s32 $0x1, s12  }
0x8b: {  	p0 =	sne.s32 s12, $0x18B  }
.Ltmp3:
0x8c: {  	_ = 	snop;
	(pc) =	sbr.rel @!p0 .LBB2_6-.Ltmp3, $2  }
0x8d: {  	_ =	sdelay $0x2  }
0x8e: {  	s15 =	sadd.s32 $0x1000, s15;
	s16 =	sadd.s32 $0x20, s16  }
.LBB2_2:
0x8f: {  	s13 =	sadd.s32 $0x3, s12  }
0x90: {  	s14 =	sand.u32 $0xFFFF, s13  }
0x91: {  	s14 =	smul.u32 $0xAAAB, s14;
	_ =	sdelay $0x1  }
0x92: {  	s14 =	sshrl.u32 s14, $0x11  }
0x93: {  	s14 =	smul.u32 $0x3, s14;
	_ =	sdelay $0x1  }
0x94: {  	s13 =	ssub.s32 s13, s14  }
0x95: {  	s13 =	sand.u32 $0xFFFF, s13  }
0x96: {  	p0 =	seq.s32 s13, $0x2  }
.Ltmp4:
0x97: {  	_ = 	snop;
	(pc) =	sbr.rel @p0 .LBB2_4-.Ltmp4, $1  }
0x98: {  	_ =	sdelay $0x3  }
0x99: {  	p0 =	seq.s32 s13, $0x1  }
0x9a: {  	_ =	swait.ge @p0 [sflag:s23], $0x100  }
0x9b: {  	[sflag:s23] =	ssyncset.done @p0 $0x0  }
0x9c: {  	[sflag:s23] =	ssyncadd.s32 @p0 $0xFFFFFF00  }
0x9d: {  	_ =	swait.ge @p0 [sflag:s9], $0x8000  }
0x9e: {  	[sflag:s9] =	ssyncset.done @p0 $0x0  }
0x9f: {  	[sflag:s9] =	ssyncadd.s32 @p0 $0xFFFF8000  }
0xa0: {  	[tilespmem:s24], [sflag:$0x5] =	stream.indirect.gather @p0 [hbm4b:s3+s20], $0x80, s17, s20, $0xb8;
	[tilespmem:$0x18300] =	vst v63  }
0xa1: {  	_ = 	snop  }
0xa2: {  	[tilespmem:s26], [sflag:$0x5] =	stream.indirect.gather @p0 [hbm4b:s3+s20], $0x80, s25, s20, $0xb8;
	[tilespmem:$0x18300] =	vst v63  }
0xa3: {  	_ =	swait.ge @p0 [sflag:s28], $0x4000  }
0xa4: {  	[sflag:s28] =	ssyncset.done @p0 $0x0  }
0xa5: {  	[sflag:s28] =	ssyncadd.s32 @p0 $0xFFFFC000  }
0xa6: {  	_ =	swait.ge @p0 [sflag:s28], $0x4000  }
0xa7: {  	[sflag:s28] =	ssyncset.done @p0 $0x0  }
0xa8: {  	[sflag:s28] =	ssyncadd.s32 @p0 $0xFFFFC000  }
0xa9: {  	[tilespmem:s2], [sflag:$0x1] =	stream.linear.gather @p0 [hbm4b:s16+s2], $0x100, $0x38;
	[tilespmem:$0x18300] =	vst v63  }
0xaa: {  	_ = 	snop  }
0xab: {  	[hbm4b:s15+s2] =	stream.linear.scatter @p0 [tilespmem:s21], [sflag:$0x7], $0x8000, $0x38;
	[tilespmem:$0x18300] =	vst v63  }
0xac: {  	_ =	swait.ge @!p0 [sflag:s19], $0x100  }
0xad: {  	[sflag:s19] =	ssyncset.done @!p0 $0x0  }
0xae: {  	[sflag:s19] =	ssyncadd.s32 @!p0 $0xFFFFFF00  }
0xaf: {  	_ =	swait.ge @!p0 [sflag:s6], $0x8000  }
0xb0: {  	[sflag:s6] =	ssyncset.done @!p0 $0x0  }
0xb1: {  	[sflag:s6] =	ssyncadd.s32 @!p0 $0xFFFF8000  }
0xb2: {  	[tilespmem:s21], [sflag:$0x4] =	stream.indirect.gather @!p0 [hbm4b:s3+s20], $0x80, s2, s20, $0xb8;
	[tilespmem:$0x18300] =	vst v63  }
0xb3: {  	_ = 	snop  }
0xb4: {  	[tilespmem:s22], [sflag:$0x4] =	stream.indirect.gather @!p0 [hbm4b:s3+s20], $0x80, s20, s20, $0xb8;
	[tilespmem:$0x18300] =	vst v63  }
0xb5: {  	_ =	swait.ge @!p0 [sflag:s7], $0x4000  }
0xb6: {  	[sflag:s7] =	ssyncset.done @!p0 $0x0  }
0xb7: {  	[sflag:s7] =	ssyncadd.s32 @!p0 $0xFFFFC000  }
0xb8: {  	_ =	swait.ge @!p0 [sflag:s7], $0x4000  }
.Ltmp5:
0xb9: {  	[sflag:s7] =	ssyncset.done @!p0 $0x0;
	(pc) =	sbr.rel .LBB2_5-.Ltmp5, $4  }
0xba: {  	[sflag:s7] =	ssyncadd.s32 @!p0 $0xFFFFC000  }
0xbb: {  	[tilespmem:s18], [sflag:$0x3] =	stream.linear.gather @!p0 [hbm4b:s16+s2], $0x100, $0x38;
	[tilespmem:$0x18300] =	vst v63  }
0xbc: {  	_ = 	snop  }
0xbd: {  	[hbm4b:s15+s2] =	stream.linear.scatter @!p0 [tilespmem:s30], [sflag:$0x9], $0x8000, $0x38;
	[tilespmem:$0x18300] =	vst v63  }
.LBB2_7:
0xbe: {  	_ =	sfence.sel $0x180000  }
0xbf: {  	[bflag:$0x0] =	sbarrier.arrive $0xFFFF  }
0xc0: {  	_ =	strace $0x90000047  }
0xc1: {  	s0 =	stileid.u32;
	[bflag:$0x2] =	sbarrier.arrive $0xFFFF  }
0xc2: {  	p0 =	sne.s32 s0, $0x0;
	s0 =	rddreg [dreg:$0x1]  }
0xc3: {  	s0 =	sadd.s32 @!p0 $0x100000, s0  }
0xc4: {  	[sflag:s0] =	ssyncadd.tile.s32 @!p0 $0x1;
	_ =	shalt  }
.Lfunc_end2:
_tile_overlayer_lowered:
.L_overlay_start_2:
0xc5: {  	(tag) =	ssettag $0x2  }
0xc6: {  	s0 =	rddreg [dreg:$0x0];
	s2 =	stileid.u32  }
0xc7: {  	s1 =	rddreg [dreg:$0x1];
	p0 =	sne.s32 s2, $0x0  }
0xc8: {  	s3 =	rddreg [dreg:$0x2];
	[bflag:$0x3] =	sbarrier.arrive $0xFFFF;
	s2 =	simm.s32 @!p0 $0x1C0A  }
0xc9: {  	[timem:s3], [sflag:s2] =	dma.local @!p0 [hbm:s0], s1  }
0xca: {  	s0 =	simm.s32 @!p0 $0xA  }
0xcb: {  	_ =	swait.ge @!p0 [sflag:s0], s1  }
0xcc: {  	s1 =	ssub.s32 @!p0 $0x0, s1;
	[sflag:s0] =	ssyncset.done @!p0 $0x0  }
0xcd: {  	[sflag:s0] =	ssyncadd.s32 @!p0 s1  }
0xce: {  	[bflag:$0x3] =	sbarrier.arrive $0xFFFF  }
0xcf: {  	_ =	shalt  }

// kernel: sparse-core-data-format-call.cloned.1.call-start
scs
called_computation_lowered:
.L_overlay_start_0:
0x0: {  	s2 =	sld [smem:$0x3FD9]  }
0x1: {  	s3 =	sld [smem:$0x3FFE];
	_ =	sdelay $0x1  }
0x2: {  	s1 =	srdreg.scid  }
0x3: {  	s0 =	sand.u32 $0x1, s1  }
0x4: {  	s18 =	sshll.u32 s0, $0xA;
	s2 =	sadd.s32 s3, s2  }
0x5: {  	s2 =	sadd.s32 s2, s18  }
0x6: {  	[smem:$0x3FC6] =	sst s2  }
0x7: {  	_ = 	snop  }
0x8: {  	s2 =	sld [smem:$0x3FD0];
	(tm) =	ssettm $0x1  }
0x9: {  	s19 =	sld [smem:$0x3FFB];
	_ =	sdelay $0x3  }
0xa: {  	_ =	strace s19  }
0xb: {  	s3 =	sld [smem:$0x3FFC];
	_ =	sdelay $0x3  }
0xc: {  	_ =	strace s3  }
0xd: {  	s3 =	sld [smem:$0x3FFD];
	_ =	sdelay $0x3  }
0xe: {  	_ =	strace s3  }
0xf: {  	_ =	strace $0x8FFFFFFF  }
0x10: {  	s20 =	sld [smem:$0x3FDB];
	_ =	sdelay $0x1  }
0x11: {  	s4 =	simm.s32 $_scs_section_size  }
0x12: {  	s5 =	simm.s32 $_size__tile_overlayer_lowered;
	s6 =	simm.s32 $_tile_overlayer_lowered  }
0x13: {  	s23 =	simm.s32 $0x1BFF;
	s22 =	sshll.u32 s6, $0x1;
	s3 =	sadd.s32 s4, s20  }
0x14: {  	s7 =	simm.s32 $0x0;
	s21 =	sshll.u32 s5, $0x1;
	s5 =	sadd.s32 s22, s3  }
0x15: {  	[timem:s7], [sflag:s23] =	dma.local [hbm:s5], s21  }
0x16: {  	_ =	swait.ge [sflag:s23], s21  }
0x17: {  	s4 =	ssub.s32 $0x0, s21;
	[sflag:s23] =	ssyncset.done $0x0  }
0x18: {  	[sflag:s23] =	ssyncadd.s32 s4;
	_ =	sdelay $0x1  }
0x19: {  	s24 =	simm.s32 $0x1B8B  }
0x1a: {  	_ =	swait.ge [sflag:s24], $0x1  }
0x1b: {  	[sflag:s24] =	ssyncset.done $0x0  }
0x1c: {  	s26 =	simm.s32 $0x1B8E;
	s25 =	sld [smem:$0x3FFE];
	[sflag:s24] =	ssyncadd.s32 $0xFFFFFFFF  }
0x1d: {  	s27 =	simm.s32 $execute0_lowered;
	[smem:$0x3FD2] =	sst s26  }
0x1e: {  	s5 =	sshll.u32 s27, $0x1;
	_ =	strace $0x80000049;
	[dreg:$0x1] =	wrdreg $0xFFFFFFFF  }
0x1f: {  	s28 =	simm.s32 $_size_execute0_lowered;
	s3 =	sadd.s32 s3, s5;
	[dreg:$0x0] =	wrdreg $0x0  }
0x20: {  	s5 =	sshll.u32 s28, $0x1;
	[dreg:$0x2] =	wrdreg s3  }
0x21: {  	[dreg:$0x3] =	wrdreg s5  }
0x22: {  	[dreg:$0x4] =	wrdreg $0xC0  }
0x23: {  	_ =	task [dreg:s7], $0x5FFFF  }
0x24: {  	[dreg:$0x1] =	wrdreg $0xFFFFFFFF  }
0x25: {  	[dreg:$0x0] =	wrdreg $0x60  }
0x26: {  	[dreg:$0x2] =	wrdreg s25  }
0x27: {  	[dreg:$0x3] =	wrdreg s2  }
0x28: {  	[dreg:$0x4] =	wrdreg $0x9  }
0x29: {  	_ =	task.clear_ibuf [dreg:s7], $0x5FFFF;
	_ =	strace $0x90000049  }
0x2a: {  	s29 =	simm.s32 $0x9;
	_ =	strace $0x8000004B  }
0x2b: {  	_ =	swait.ge [sflag:s29], $0x1  }
0x2c: {  	[sflag:s29] =	ssyncadd.s32 $0xFFFFFFFF  }
0x2d: {  	_ =	strace $0x9000004B  }
0x2e: {  	_ =	sfence  }
0x2f: {  	s30 =	sld [smem:$0x0];
	_ =	sdelay $0x2  }
0x30: {  	s31 =	sshll.u32 s1, $0xD;
	s1 =	sshrl.u32 s1, $0x2  }
0x31: {  	s3 =	sand.u32 $0x4000, s31;
	s1 =	sadd.s32 s1, s30  }
0x32: {  	s0 =	sor.u32 s3, s0;
	s1 =	sshll.u32 s1, $0x11  }
0x33: {  	s0 =	sor.u32 s1, s0  }
0x34: {  	s0 =	sadd.s32 $0x8F2B, s0  }
0x35: {  	[sflag:s0] =	ssyncadd.remote.s32 $0x1  }
0x36: {  	_ =	sfence.sel $0xFFFF  }
0x37: {  	[dreg:$0x0] =	wrdreg $0xFFFFFFFF;
	(pc) =	sbr.abs _section_cstart, $3  }
0x38: {  	[dreg:$0x1] =	wrdreg $0xFFFFFFFF  }
0x39: {  	_ =	task.clear_ibuf [dreg:s7], $0x2FFFF;
	_ =	strace $0x9FFFFFFF  }
0x3a: {  	(tm) =	ssettm $0x7FFFFFFF  }
0x3b: {  	_ =	shalt  }
tec
execute0_lowered:
.L_overlay_start_1:
0x0: {  	(tag) =	ssettag $0x1  }
0x1: {  	s0 =	srdreg.scid  }
0x2: {  	s1 =	sshll.u32 s0, $0x4  }
0x3: {  	s0 =	stileid.u32;
	s1 =	sand.u32 $0x10, s1  }
0x4: {  	s1 =	sor.u32 s0, s1  }
0x5: {  	s6 =	rddreg [dreg:$0x0];
	s4 =	simm.s32 $0x1;
	s2 =	sshll.u32 s1, $0x7  }
0x6: {  	s7 =	simm.s32 $0x2;
	s12 =	simm.s32 $0x0;
	s1 =	ssub.s32 $0x4000, s2  }
0x7: {  	s8 =	simm.s32 $0x20000;
	s13 =	simm.s32 $0x0;
	s3 =	sand.u32 $0xF80, s1  }
0x8: {  	s9 =	simm.s32 $0x0;
	s5 =	sshrl.u32 s1, $0xC;
	p0 =	sne.s32 s3, $0x0  }
.Ltmp0:
0x9: {  	s1 =	rddreg [dreg:$0x2];
	s4 =	simm.s32 @!p0 $0x0;
	(pc) =	sbr.rel .LBB1_1-.Ltmp0, $4  }
0xa: {  	s11 =	simm.s32 $0x0;
	s3 =	rddreg [dreg:$0x1];
	s5 =	sadd.s32 s4, s5  }
0xb: {  	_ =	strace $0x8000004A;
	s4 =	simm.s32 $0x1;
	s5 =	smul.u32 $0xC8, s5  }
0xc: {  	s6 =	sadd.s32 $0x1EB200, s6;
	s10 =	smov.u32 s2;
	[sflag:s4] =	ssyncpa.u1 $0x0  }
0xd: {  	p0 =	por $0x0, $0x0;
	[sflag:s7] =	ssyncpa.u1 $0x0;
	s7 =	sor.u32 $0x1, s5  }
.LBB1_4:
0xe: {  	s16 =	sshll.u32 s13, $0x3;
	s17 =	sand.u32 $0x78, s13  }
0xf: {  	s30 =	sand.u32 $0x1F800, s13;
	s12 =	sshll.u32 s12, $0x11;
	s16 =	sand.u32 $0x3C00, s16  }
0x10: {  	[tilespmem:s15+$0x810 ss:$0x81] =	vst.msk $0xffff, v2;
	s31 =	sand.u32 $0x7, s13;
	s16 =	sor.u32 s17, s16;
	s17 =	sadd.s32 s3, s30  }
0x11: {  	[tilespmem:s15+$0x1020 ss:$0x81] =	vst.msk $0xffff, v0;
	s13 =	sshll.u32 s31, $0x12;
	s12 =	sadd.s32 s12, s17;
	s16 =	sshrl.u32 s16, $0x3  }
0x12: {  	[tilespmem:s15+$0x0 ss:$0x81] =	vst.msk $0xffff, v1;
	s13 =	sor.u32 $0x400, s13;
	s12 =	sadd.s32 s16, s12  }
0x13: {  	[hbm4b:s12+s13] =	stream.strided.scatter [tilespmem:s14], [sflag:$0x2], $0x2000, s8, s13, $0x20;
	[tilespmem:$0x8080] =	vst v63  }
.LBB1_5:
0x14: {  	s14 =	sadd.s32 $0x1, s9  }
0x15: {  	s12 =	sadd.s32 $0x1000, s10;
	s16 =	smov.u32 s10;
	p2 =	sgt.s32 s14, $0xC7  }
0x16: {  	s16 =	smov.u32 @p2 s12  }
0x17: {  	s14 =	simm.s32 @p2 $0x0;
	p2 =	sgt.s32 s16, $0x3FFF  }
0x18: {  	s16 =	smov.u32 @p2 s2;
	p2 =	sne.s32 s11, s7  }
.Ltmp1:
0x19: {  	p1 =	slt.u32 s11, $0x2;
	(pc) =	sbr.rel @!p2 .LBB1_6-.Ltmp1, $4  }
0x1a: {  	s15 =	simm.s32 @!p1 $0x2  }
0x1b: {  	s13 =	smov.u32 s10;
	p0 =	por !p0, !p0;
	_ =	swait.ge @!p1 [sflag:s15], $0x2000  }
0x1c: {  	s12 =	smov.u32 s9;
	[sflag:s15] =	ssyncset.done @!p1 $0x0;
	s9 =	smov.u32 s14  }
0x1d: {  	s11 =	sadd.s32 $0x1, s11;
	[sflag:s15] =	ssyncadd.s32 @!p1 $0xFFFFE000;
	s10 =	smov.u32 s16  }
.LBB1_1:
0x1e: {  	p1 =	sge.u32 s11, s5  }
0x1f: {  	s14 =	sand.u32 @!p1 $0x1FFFFFF, s9  }
0x20: {  	s15 =	smulhi.u32 @!p1 $0x147AE15, s14;
	_ =	sdelay $0x1  }
0x21: {  	s15 =	smul.u32 @!p1 $0xC8, s15  }
0x22: {  	s16 =	sxor.u32 @!p1 $0xFFFFFFFF, s11;
	s17 =	smul.u32 @!p1 $0xC80, s10  }
0x23: {  	s31 =	sadd.s32 $0xFFFFFFFF, s11;
	s16 =	sshll.u32 @!p1 s16, $0xD;
	s14 =	ssub.s32 @!p1 s14, s15  }
0x24: {  	s15 =	sand.u32 @!p1 $0x2000, s16;
	s16 =	sadd.s32 @!p1 s6, s17;
	s14 =	sshll.u32 @!p1 s14, $0x4  }
0x25: {  	s17 =	simm.s32 @!p1 $0x6400;
	s14 =	sadd.s32 @!p1 s14, s16;
	s16 =	simm.s32 @!p1 $0x40  }
0x26: {  	[tilespmem:s15], [sflag:$0x1] =	stream.strided.gather @!p1 [hbm4b:s14+s16], $0x2000, s17, s16, $0x38;
	[tilespmem:$0x8080] =	vst v63  }
0x27: {  	p1 =	sge.u32 s31, s5  }
.Ltmp2:
0x28: {  	_ = 	snop;
	(pc) =	sbr.rel @p1 .LBB1_5-.Ltmp2, $1  }
0x29: {  	_ =	sdelay $0x3  }
0x2a: {  	s14 =	simm.s32 $0x1  }
0x2b: {  	_ =	swait.ge [sflag:s4], $0x2000;
	s14 =	simm.s32 @!p0 $0x0  }
0x2c: {  	[sflag:s4] =	ssyncset.done $0x0;
	s15 =	sshll.u32 s14, $0xD  }
0x2d: {  	[sflag:s4] =	ssyncadd.s32 $0xFFFFE000;
	s18 =	sor.u32 $0x20, s15  }
0x2e: {  	s14 =	smul.u32 $0x8100, s14;
	v3 =	vld [tilespmem:s18+$0x10]  }
0x2f: {  	s30 =	sand.u32 $0x1, s11;
	v2 =	vld [tilespmem:s18+$0xFFFFFFF0]  }
0x30: {  	s15 =	smul.u32 $0x8100, s30;
	s14 =	sshrl.u32 s14, $0x2;
	v0 =	vld [tilespmem:s18+$0x0]  }
0x31: {  	v1 =	vld [tilespmem:s18+$0xFFFFFFE0];
	s16 =	sor.u32 $0x4000, s14  }
0x32: {  	s31 =	sshrl.u32 s15, $0x2;
	s15 =	sadd.s32 $0x0, s16  }
0x33: {  	s17 =	simm.s32 $0x4;
	s18 =	sadd.s32 $0x40, s18;
	s14 =	sor.u32 $0x4000, s31;
	[tilespmem:s15+$0x1830 ss:$0x81] =	vst.msk $0xffff, v3  }
.LBB1_3:
0x34: {  	v3 =	vld [tilespmem:s18+$0x10];
	p1 =	sne.s32 s17, $0x1FC;
	[tilespmem:s15+$0x810 ss:$0x81] =	vst.msk $0xffff, v2;
	s19 =	smov.u32 s17;
	s17 =	sadd.s32 $0x4, s17  }
.Ltmp3:
0x35: {  	v2 =	vld [tilespmem:s18+$0xFFFFFFF0];
	[tilespmem:s15+$0x1020 ss:$0x81] =	vst.msk $0xffff, v0;
	(pc) =	sbr.rel @p1 .LBB1_3-.Ltmp3, $4  }
0x36: {  	v0 =	vld [tilespmem:s18+$0x0];
	[tilespmem:s15+$0x0 ss:$0x81] =	vst.msk $0xffff, v1  }
0x37: {  	s15 =	sshra.s32 s19, $0x2;
	v1 =	vld [tilespmem:s18+$0xFFFFFFE0]  }
0x38: {  	s15 =	sadd.s32 s15, s16  }
0x39: {  	s18 =	sadd.s32 $0x40, s18;
	[tilespmem:s15+$0x1830 ss:$0x81] =	vst.msk $0xffff, v3  }
.Ltmp4:
0x3a: {  	_ = 	snop;
	(pc) =	sbr.rel .LBB1_4-.Ltmp4, $1  }
0x3b: {  	_ =	sdelay $0x3  }
.LBB1_6:
0x3c: {  	_ =	sfence.sel $0x180000  }
0x3d: {  	s2 =	simm.s32 $0x1;
	[bflag:$0x0] =	sbarrier.arrive $0xFFFF  }
0x3e: {  	s31 =	simm.s32 $0x2;
	[sflag:s2] =	ssyncpa.u1 $0x1  }
0x3f: {  	[sflag:s31] =	ssyncpa.u1 $0x1  }
0x40: {  	p0 =	sne.s32 s0, $0x0;
	_ =	strace $0x9000004A  }
0x41: {  	s0 =	sadd.s32 @!p0 $0x100000, s1;
	[bflag:$0x2] =	sbarrier.arrive $0xFFFF  }
0x42: {  	[sflag:s0] =	ssyncadd.tile.s32 @!p0 $0x1;
	_ =	shalt  }
.Lfunc_end1:
_tile_overlayer_lowered:
.L_overlay_start_2:
0x43: {  	(tag) =	ssettag $0x2  }
0x44: {  	s0 =	rddreg [dreg:$0x0];
	s2 =	stileid.u32  }
0x45: {  	s1 =	rddreg [dreg:$0x1];
	p0 =	sne.s32 s2, $0x0  }
0x46: {  	s3 =	rddreg [dreg:$0x2];
	[bflag:$0x3] =	sbarrier.arrive $0xFFFF;
	s2 =	simm.s32 @!p0 $0x1C01  }
0x47: {  	[timem:s3], [sflag:s2] =	dma.local @!p0 [hbm:s0], s1  }
0x48: {  	s0 =	simm.s32 @!p0 $0x1  }
0x49: {  	_ =	swait.ge @!p0 [sflag:s0], s1  }
0x4a: {  	s1 =	ssub.s32 @!p0 $0x0, s1;
	[sflag:s0] =	ssyncset.done @!p0 $0x0  }
0x4b: {  	[sflag:s0] =	ssyncadd.s32 @!p0 s1  }
0x4c: {  	[bflag:$0x3] =	sbarrier.arrive $0xFFFF  }
0x4d: {  	_ =	shalt  }

</sc_bundles>
